<compile_context>
chip_gen: v7x
topology: tpu7x:2x2x1
jax: 0.10.2.dev20260603
libtpu: 0.0.44.dev20260713+nightly
codegen_flags: <defaults>
</compile_context>

<pallas_src>
import functools

import jax
import jax.numpy as jnp
import numpy as np
from jax import lax
from jax.experimental import pallas as pl
from jax.experimental.pallas import tpu as pltpu
from jax.experimental.pallas import tpu_sc as plsc

VOCAB = 1000
VPAD = 1024
BATCH = 16384
DIM_A = 32
DIM_B = 64
MAX_NORM_A = float(np.sqrt(DIM_A))
MAX_NORM_B = float(np.sqrt(DIM_B))

_NBA = DIM_A // 8
_NBB = DIM_B // 8
_NTILE = BATCH // 128

_INFO = plsc.get_sparse_core_info()
_NC = _INFO.num_cores
_NS = _INFO.num_subcores
_NW = _NC * _NS
_SA = _NW // _NBA
_SB = _NW // _NBB
_TA = _NTILE // _SA
_TB = _NTILE // _SB
_BLK = 8 * VPAD


def _renorm_t_body(ta_ref, tb_ref, oa_ref, ob_ref):
    a = ta_ref[...]
    ap = jnp.concatenate([a, jnp.zeros((DIM_A, VPAD - VOCAB), jnp.float32)], axis=1)
    na = jnp.sqrt(jnp.sum(ap * ap, axis=0, keepdims=True))
    sa = jnp.where(na > MAX_NORM_A, MAX_NORM_A / (na + 1e-7), 1.0)
    A = ap * sa
    for blk in range(_NBA):
        for tc in range(VPAD // 128):
            base = blk * _BLK + tc * (8 * 128)
            oa_ref[pl.ds(base, 8 * 128)] = (
                A[8 * blk:8 * blk + 8, 128 * tc:128 * tc + 128].reshape(-1))
    b = tb_ref[...]
    bp = jnp.concatenate([b, jnp.zeros((DIM_B, VPAD - VOCAB), jnp.float32)], axis=1)
    nb = jnp.sqrt(jnp.sum(bp * bp, axis=0, keepdims=True))
    sb = jnp.where(nb > MAX_NORM_B, MAX_NORM_B / (nb + 1e-7), 1.0)
    B = bp * sb
    for blk in range(_NBB):
        for tc in range(VPAD // 128):
            base = blk * _BLK + tc * (8 * 128)
            ob_ref[pl.ds(base, 8 * 128)] = (
                B[8 * blk:8 * blk + 8, 128 * tc:128 * tc + 128].reshape(-1))


_renorm_t = pl.pallas_call(
    _renorm_t_body,
    out_shape=(
        jax.ShapeDtypeStruct((_NBA * _BLK,), jnp.float32),
        jax.ShapeDtypeStruct((_NBB * _BLK,), jnp.float32),
    ),
)


@functools.partial(
    pl.kernel,
    mesh=plsc.VectorSubcoreMesh(core_axis_name="c", subcore_axis_name="s"),
    out_type=(
        jax.ShapeDtypeStruct((_NBA * _NTILE * 8 * 128,), jnp.float32),
        jax.ShapeDtypeStruct((_NBB * _NTILE * 8 * 128,), jnp.float32),
    ),
    scratch_types=[
        pltpu.VMEM((BATCH // _SA,), jnp.int32),
        pltpu.VMEM((BATCH // _SB,), jnp.int32),
        pltpu.VMEM((_BLK,), jnp.float32),
        pltpu.VMEM((_BLK,), jnp.float32),
        pltpu.VMEM((_TA * 8 * 128,), jnp.float32),
        pltpu.VMEM((_TB * 8 * 128,), jnp.float32),
        pltpu.SemaphoreType.DMA,
    ],
    compiler_params=pltpu.CompilerParams(
        use_tc_tiling_on_sc=True, needs_layout_passes=False,
        disable_bounds_checks=True),
)
def _gather_t(ids_hbm, ta_hbm, tb_hbm, oa_hbm, ob_hbm,
              idxa, idxb, tba, tbb, osa, osb, sem):
    wid = lax.axis_index("s") * _NC + lax.axis_index("c")

    ablk = wid // _SA
    s = wid % _SA
    bblk = wid // _SB
    s2 = wid % _SB

    cps = [
        pltpu.async_copy(
            ids_hbm.at[pl.ds(s * (BATCH // _SA), BATCH // _SA)], idxa, sem),
        pltpu.async_copy(
            ids_hbm.at[pl.ds(s2 * (BATCH // _SB), BATCH // _SB)], idxb, sem),
        pltpu.async_copy(ta_hbm.at[pl.ds(ablk * _BLK, _BLK)], tba, sem),
        pltpu.async_copy(tb_hbm.at[pl.ds(bblk * _BLK, _BLK)], tbb, sem),
    ]
    for c in cps:
        c.wait()

    @plsc.parallel_loop(0, _TA * 8, unroll=4)
    def body_a(ck):
        v = idxa[pl.ds(ck * 16, 16)]
        fl = lax.shift_left(lax.shift_right_logical(v, 7), 10) + \
            lax.bitwise_and(v, 127)
        base = (ck >> 3) * 1024 + (ck & 7) * 16
        for r in range(8):
            g = plsc.load_gather(tba, [fl + (r * 128)])
            osa[pl.ds(base + r * 128, 16)] = g
    cp_a = pltpu.async_copy(
        osa, oa_hbm.at[pl.ds(ablk * (_NTILE * 1024) + s * (_TA * 1024),
                             _TA * 1024)], sem)

    @plsc.parallel_loop(0, _TB * 8, unroll=4)
    def body_b(ck):
        v = idxb[pl.ds(ck * 16, 16)]
        fl = lax.shift_left(lax.shift_right_logical(v, 7), 10) + \
            lax.bitwise_and(v, 127)
        base = (ck >> 3) * 1024 + (ck & 7) * 16
        for r in range(8):
            g = plsc.load_gather(tbb, [fl + (r * 128)])
            osb[pl.ds(base + r * 128, 16)] = g
    cp_b = pltpu.async_copy(
        osb, ob_hbm.at[pl.ds(bblk * (_NTILE * 1024) + s2 * (_TB * 1024),
                             _TB * 1024)], sem)
    cp_a.wait()
    cp_b.wait()


@jax.jit
def kernel(ids, table_a, table_b):
    ta1, tb1 = _renorm_t(table_a.T, table_b.T)
    oa1, ob1 = _gather_t(ids, ta1, tb1)
    oa = (oa1.reshape(_NBA, _NTILE, 8, 128).transpose(0, 2, 1, 3)
          .reshape(DIM_A, BATCH).T)
    ob = (ob1.reshape(_NBB, _NTILE, 8, 128).transpose(0, 2, 1, 3)
          .reshape(DIM_B, BATCH).T)
    return oa, ob

# --- scband reference (transcript-rebuilt; emitter-appended) ---
"""Pipeline reference for scband-latent-code-embeddings-36034775613730 (READ-ONLY COPY).

The authoritative reference and input builder live on the scoring server;
editing this copy changes nothing except your own understanding.
"""

import jax, jax.numpy as jnp
import numpy as np

VOCAB = 1000
BATCH = 16384
DIM_A = 32
DIM_B = 64

def _renorm_lookup(table, ids, max_norm):
    # torch.nn.Embedding with max_norm renormalizes accessed rows whose L2 norm
    # exceeds max_norm (scale = max_norm / (norm + 1e-7)), done under no_grad.
    rows = jnp.take(table, ids, axis=0)
    norms = jnp.linalg.norm(rows, axis=-1, keepdims=True)
    scale = jnp.where(norms > max_norm, max_norm / (norms + 1e-7), 1.0)
    scale = jax.lax.stop_gradient(scale)
    return rows * scale

def setup_inputs(seed: int = 0):
    key = jax.random.key(seed)
    k1, k2, k3 = jax.random.split(key, 3)
    ids = jax.random.randint(k1, (BATCH,), 0, VOCAB, dtype=jnp.int32)
    table_a = jax.random.normal(k2, (VOCAB, DIM_A), dtype=jnp.float32)
    table_b = jax.random.normal(k3, (VOCAB, DIM_B), dtype=jnp.float32)
    return {"ids": ids, "table_a": table_a, "table_b": table_b}

def reference(ids, table_a, table_b):
    # names -> ids mapping is the identity permutation (name_idx_mapping[str(i)] = i),
    # so the forward reduces to one renormalized gather per embedding table.
    emb_a = _renorm_lookup(table_a, ids, float(np.sqrt(DIM_A)))
    emb_b = _renorm_lookup(table_b, ids, float(np.sqrt(DIM_B)))
    return (emb_a, emb_b)

if __name__ == "__main__":
    import jax
    _d = setup_inputs()
    print(jax.jit(kernel)(*tuple(_d.values())))

</pallas_src>

<mosaic_0001>
#map = affine_map<(d0, d1) -> (0)>
module attributes {stable_mosaic.version = 14 : i64} {
  func.func @_gather_t(%arg0: i32, %arg1: i32, %arg2: memref<16384xi32, #tpu.memory_space<hbm>>, %arg3: memref<32768xf32, #tpu.memory_space<hbm>>, %arg4: memref<65536xf32, #tpu.memory_space<hbm>>, %arg5: memref<524288xf32, #tpu.memory_space<hbm>>, %arg6: memref<1048576xf32, #tpu.memory_space<hbm>>, %arg7: memref<2048xi32, #tpu.memory_space<vmem>>, %arg8: memref<4096xi32, #tpu.memory_space<vmem>>, %arg9: memref<8192xf32, #tpu.memory_space<vmem>>, %arg10: memref<8192xf32, #tpu.memory_space<vmem>>, %arg11: memref<16384xf32, #tpu.memory_space<vmem>>, %arg12: memref<32768xf32, #tpu.memory_space<vmem>>, %arg13: memref<!tpu.dma_semaphore, #tpu.memory_space<semaphore_mem>>) attributes {dimension_semantics = [#tpu.dimension_semantics<core_parallel>, #tpu.dimension_semantics<subcore_parallel>], iteration_bounds = array<i64: 2, 16>, scalar_prefetch = 0 : i64, scratch_operands = 7 : i64, tpu.core_type = #tpu.core_type<sc_vector_subcore>, window_params = [{transform_indices = #map}, {transform_indices = #map}, {transform_indices = #map}, {transform_indices = #map}, {transform_indices = #map}]} {
    %mul3A = arith.constant 2 : i32
    %mul3A_0 = arith.muli %arg1, %mul3A : i32
    %add3A = arith.addi %mul3A_0, %arg0 : i32
    %jit3A = arith.constant 8 : i32
    %div3A = arith.divsi %add3A, %jit3A : i32
    %sign3A = arith.constant 0 : i32
    %sign3A_1 = arith.cmpi sgt, %add3A, %sign3A : i32
    %sign3A_2 = arith.extui %sign3A_1 : i1 to i32
    %sign3A_3 = arith.constant 0 : i32
    %sign3A_4 = arith.cmpi slt, %add3A, %sign3A_3 : i32
    %sign3A_5 = arith.extui %sign3A_4 : i1 to i32
    %sign3A_6 = arith.subi %sign3A_2, %sign3A_5 : i32
    %sign3A_7 = arith.constant 0 : i32
    %sign3A_8 = arith.cmpi sgt, %jit3A, %sign3A_7 : i32
    %sign3A_9 = arith.extui %sign3A_8 : i1 to i32
    %sign3A_10 = arith.constant 0 : i32
    %sign3A_11 = arith.cmpi slt, %jit3A, %sign3A_10 : i32
    %sign3A_12 = arith.extui %sign3A_11 : i1 to i32
    %sign3A_13 = arith.subi %sign3A_9, %sign3A_12 : i32
    %ne3A = arith.cmpi ne, %sign3A_6, %sign3A_13 : i32
    %rem3A = arith.remsi %add3A, %jit3A : i32
    %ne3A_14 = arith.constant 0 : i32
    %ne3A_15 = arith.cmpi ne, %rem3A, %ne3A_14 : i32
    %and3A = arith.andi %ne3A, %ne3A_15 : i1
    %sub3A = arith.constant 1 : i32
    %sub3A_16 = arith.subi %div3A, %sub3A : i32
    %select_n3A = arith.select %and3A, %sub3A_16, %div3A : i32
    %jit3A_17 = arith.constant 8 : i32
    %eq3A = arith.constant 0 : i32
    %eq3A_18 = arith.cmpi eq, %jit3A_17, %eq3A : i32
    %jit3A_19 = arith.constant 1 : i32
    %select_n3A_20 = arith.select %eq3A_18, %jit3A_19, %jit3A_17 : i32
    %rem3A_21 = arith.remsi %add3A, %select_n3A_20 : i32
    %ne3A_22 = arith.constant 0 : i32
    %ne3A_23 = arith.cmpi ne, %rem3A_21, %ne3A_22 : i32
    %lt3A = arith.constant 0 : i32
    %lt3A_24 = arith.cmpi slt, %rem3A_21, %lt3A : i32
    %lt3A_25 = arith.constant 0 : i32
    %lt3A_26 = arith.cmpi slt, %select_n3A_20, %lt3A_25 : i32
    %ne3A_27 = arith.xori %lt3A_24, %lt3A_26 : i1
    %and3A_28 = arith.andi %ne3A_27, %ne3A_23 : i1
    %add3A_29 = arith.addi %rem3A_21, %select_n3A_20 : i32
    %select_n3A_30 = arith.select %and3A_28, %add3A_29, %rem3A_21 : i32
    %jit3A_31 = arith.constant 4 : i32
    %div3A_32 = arith.divsi %add3A, %jit3A_31 : i32
    %sign3A_33 = arith.constant 0 : i32
    %sign3A_34 = arith.cmpi sgt, %add3A, %sign3A_33 : i32
    %sign3A_35 = arith.extui %sign3A_34 : i1 to i32
    %sign3A_36 = arith.constant 0 : i32
    %sign3A_37 = arith.cmpi slt, %add3A, %sign3A_36 : i32
    %sign3A_38 = arith.extui %sign3A_37 : i1 to i32
    %sign3A_39 = arith.subi %sign3A_35, %sign3A_38 : i32
    %sign3A_40 = arith.constant 0 : i32
    %sign3A_41 = arith.cmpi sgt, %jit3A_31, %sign3A_40 : i32
    %sign3A_42 = arith.extui %sign3A_41 : i1 to i32
    %sign3A_43 = arith.constant 0 : i32
    %sign3A_44 = arith.cmpi slt, %jit3A_31, %sign3A_43 : i32
    %sign3A_45 = arith.extui %sign3A_44 : i1 to i32
    %sign3A_46 = arith.subi %sign3A_42, %sign3A_45 : i32
    %ne3A_47 = arith.cmpi ne, %sign3A_39, %sign3A_46 : i32
    %rem3A_48 = arith.remsi %add3A, %jit3A_31 : i32
    %ne3A_49 = arith.constant 0 : i32
    %ne3A_50 = arith.cmpi ne, %rem3A_48, %ne3A_49 : i32
    %and3A_51 = arith.andi %ne3A_47, %ne3A_50 : i1
    %sub3A_52 = arith.constant 1 : i32
    %sub3A_53 = arith.subi %div3A_32, %sub3A_52 : i32
    %select_n3A_54 = arith.select %and3A_51, %sub3A_53, %div3A_32 : i32
    %jit3A_55 = arith.constant 4 : i32
    %eq3A_56 = arith.constant 0 : i32
    %eq3A_57 = arith.cmpi eq, %jit3A_55, %eq3A_56 : i32
    %jit3A_58 = arith.constant 1 : i32
    %select_n3A_59 = arith.select %eq3A_57, %jit3A_58, %jit3A_55 : i32
    %rem3A_60 = arith.remsi %add3A, %select_n3A_59 : i32
    %ne3A_61 = arith.constant 0 : i32
    %ne3A_62 = arith.cmpi ne, %rem3A_60, %ne3A_61 : i32
    %lt3A_63 = arith.constant 0 : i32
    %lt3A_64 = arith.cmpi slt, %rem3A_60, %lt3A_63 : i32
    %lt3A_65 = arith.constant 0 : i32
    %lt3A_66 = arith.cmpi slt, %select_n3A_59, %lt3A_65 : i32
    %ne3A_67 = arith.xori %lt3A_64, %lt3A_66 : i1
    %and3A_68 = arith.andi %ne3A_67, %ne3A_62 : i1
    %add3A_69 = arith.addi %rem3A_60, %select_n3A_59 : i32
    %select_n3A_70 = arith.select %and3A_68, %add3A_69, %rem3A_60 : i32
    %mul3A_71 = arith.constant 2048 : i32
    %mul3A_72 = arith.muli %select_n3A_30, %mul3A_71 : i32
    %dma_start3A = tpu.memref_slice %arg2[%mul3A_72] : memref<16384xi32, #tpu.memory_space<hbm>> -> memref<2048xi32, #tpu.memory_space<hbm>>
    %dma_start3A_73 = tpu.memref_slice %arg2[%mul3A_72] : memref<16384xi32, #tpu.memory_space<hbm>> -> memref<2048xi32, #tpu.memory_space<hbm>>
    tpu.enqueue_dma source(%dma_start3A_73 : memref<2048xi32, #tpu.memory_space<hbm>>) target(%arg7 : memref<2048xi32, #tpu.memory_space<vmem>>) target_semaphore(%arg13 : memref<!tpu.dma_semaphore, #tpu.memory_space<semaphore_mem>>)
    %mul3A_74 = arith.constant 4096 : i32
    %mul3A_75 = arith.muli %select_n3A_70, %mul3A_74 : i32
    %dma_start3A_76 = tpu.memref_slice %arg2[%mul3A_75] : memref<16384xi32, #tpu.memory_space<hbm>> -> memref<4096xi32, #tpu.memory_space<hbm>>
    %dma_start3A_77 = tpu.memref_slice %arg2[%mul3A_75] : memref<16384xi32, #tpu.memory_space<hbm>> -> memref<4096xi32, #tpu.memory_space<hbm>>
    tpu.enqueue_dma source(%dma_start3A_77 : memref<4096xi32, #tpu.memory_space<hbm>>) target(%arg8 : memref<4096xi32, #tpu.memory_space<vmem>>) target_semaphore(%arg13 : memref<!tpu.dma_semaphore, #tpu.memory_space<semaphore_mem>>)
    %mul3A_78 = arith.constant 8192 : i32
    %mul3A_79 = arith.muli %select_n3A, %mul3A_78 : i32
    %dma_start3A_80 = tpu.memref_slice %arg3[%mul3A_79] : memref<32768xf32, #tpu.memory_space<hbm>> -> memref<8192xf32, #tpu.memory_space<hbm>>
    %dma_start3A_81 = tpu.memref_slice %arg3[%mul3A_79] : memref<32768xf32, #tpu.memory_space<hbm>> -> memref<8192xf32, #tpu.memory_space<hbm>>
    tpu.enqueue_dma source(%dma_start3A_81 : memref<8192xf32, #tpu.memory_space<hbm>>) target(%arg9 : memref<8192xf32, #tpu.memory_space<vmem>>) target_semaphore(%arg13 : memref<!tpu.dma_semaphore, #tpu.memory_space<semaphore_mem>>)
    %mul3A_82 = arith.constant 8192 : i32
    %mul3A_83 = arith.muli %select_n3A_54, %mul3A_82 : i32
    %dma_start3A_84 = tpu.memref_slice %arg4[%mul3A_83] : memref<65536xf32, #tpu.memory_space<hbm>> -> memref<8192xf32, #tpu.memory_space<hbm>>
    %dma_start3A_85 = tpu.memref_slice %arg4[%mul3A_83] : memref<65536xf32, #tpu.memory_space<hbm>> -> memref<8192xf32, #tpu.memory_space<hbm>>
    tpu.enqueue_dma source(%dma_start3A_85 : memref<8192xf32, #tpu.memory_space<hbm>>) target(%arg10 : memref<8192xf32, #tpu.memory_space<vmem>>) target_semaphore(%arg13 : memref<!tpu.dma_semaphore, #tpu.memory_space<semaphore_mem>>)
    %dma_wait3A = tpu.memref_slice %arg2[%mul3A_72] : memref<16384xi32, #tpu.memory_space<hbm>> -> memref<2048xi32, #tpu.memory_space<hbm>>
    %dma_wait3A_86 = tpu.memref_slice %arg2[%mul3A_72] : memref<16384xi32, #tpu.memory_space<hbm>> -> memref<2048xi32, #tpu.memory_space<hbm>>
    tpu.wait_dma2 semaphore(%arg13 : memref<!tpu.dma_semaphore, #tpu.memory_space<semaphore_mem>>) src(%dma_wait3A_86 : memref<2048xi32, #tpu.memory_space<hbm>>) dst(%arg7 : memref<2048xi32, #tpu.memory_space<vmem>>)
    %dma_wait3A_87 = tpu.memref_slice %arg2[%mul3A_75] : memref<16384xi32, #tpu.memory_space<hbm>> -> memref<4096xi32, #tpu.memory_space<hbm>>
    %dma_wait3A_88 = tpu.memref_slice %arg2[%mul3A_75] : memref<16384xi32, #tpu.memory_space<hbm>> -> memref<4096xi32, #tpu.memory_space<hbm>>
    tpu.wait_dma2 semaphore(%arg13 : memref<!tpu.dma_semaphore, #tpu.memory_space<semaphore_mem>>) src(%dma_wait3A_88 : memref<4096xi32, #tpu.memory_space<hbm>>) dst(%arg8 : memref<4096xi32, #tpu.memory_space<vmem>>)
    %dma_wait3A_89 = tpu.memref_slice %arg3[%mul3A_79] : memref<32768xf32, #tpu.memory_space<hbm>> -> memref<8192xf32, #tpu.memory_space<hbm>>
    %dma_wait3A_90 = tpu.memref_slice %arg3[%mul3A_79] : memref<32768xf32, #tpu.memory_space<hbm>> -> memref<8192xf32, #tpu.memory_space<hbm>>
    tpu.wait_dma2 semaphore(%arg13 : memref<!tpu.dma_semaphore, #tpu.memory_space<semaphore_mem>>) src(%dma_wait3A_90 : memref<8192xf32, #tpu.memory_space<hbm>>) dst(%arg9 : memref<8192xf32, #tpu.memory_space<vmem>>)
    %dma_wait3A_91 = tpu.memref_slice %arg4[%mul3A_83] : memref<65536xf32, #tpu.memory_space<hbm>> -> memref<8192xf32, #tpu.memory_space<hbm>>
    %dma_wait3A_92 = tpu.memref_slice %arg4[%mul3A_83] : memref<65536xf32, #tpu.memory_space<hbm>> -> memref<8192xf32, #tpu.memory_space<hbm>>
    tpu.wait_dma2 semaphore(%arg13 : memref<!tpu.dma_semaphore, #tpu.memory_space<semaphore_mem>>) src(%dma_wait3A_92 : memref<8192xf32, #tpu.memory_space<hbm>>) dst(%arg10 : memref<8192xf32, #tpu.memory_space<vmem>>)
    %parallel_loop3A = arith.constant 0 : i32
    %parallel_loop3A_93 = arith.constant 128 : i32
    %parallel_loop3A_94 = arith.constant 1 : i32
    scf.for %parallel_loop3A_116 = %parallel_loop3A to %parallel_loop3A_93 step %parallel_loop3A_94  : i32 {
      %parallel_loop3A_117 = arith.constant 16 : i32
      %parallel_loop3A_118 = arith.muli %parallel_loop3A_116, %parallel_loop3A_117 : i32
      %parallel_loop3A_119 = arith.index_cast %parallel_loop3A_118 : i32 to index
      %parallel_loop3A_120 = tpu.vector_load %arg7[%parallel_loop3A_119] {strides = array<i32>} : memref<2048xi32, #tpu.memory_space<vmem>>, vector<16xi32>,
      %parallel_loop3A_121 = arith.constant 7 : i32
      %parallel_loop3A_122 = vector.broadcast %parallel_loop3A_121 : i32 to vector<16xi32>
      %parallel_loop3A_123 = arith.shrui %parallel_loop3A_120, %parallel_loop3A_122 : vector<16xi32>
      %parallel_loop3A_124 = arith.constant 10 : i32
      %parallel_loop3A_125 = vector.broadcast %parallel_loop3A_124 : i32 to vector<16xi32>
      %parallel_loop3A_126 = arith.shli %parallel_loop3A_123, %parallel_loop3A_125 : vector<16xi32>
      %parallel_loop3A_127 = arith.constant 127 : i32
      %parallel_loop3A_128 = vector.broadcast %parallel_loop3A_127 : i32 to vector<16xi32>
      %parallel_loop3A_129 = arith.andi %parallel_loop3A_120, %parallel_loop3A_128 : vector<16xi32>
      %parallel_loop3A_130 = arith.addi %parallel_loop3A_126, %parallel_loop3A_129 : vector<16xi32>
      %parallel_loop3A_131 = arith.constant 3 : i32
      %parallel_loop3A_132 = arith.shrsi %parallel_loop3A_116, %parallel_loop3A_131 : i32
      %parallel_loop3A_133 = arith.constant 1024 : i32
      %parallel_loop3A_134 = arith.muli %parallel_loop3A_132, %parallel_loop3A_133 : i32
      %parallel_loop3A_135 = arith.constant 7 : i32
      %parallel_loop3A_136 = arith.andi %parallel_loop3A_116, %parallel_loop3A_135 : i32
      %parallel_loop3A_137 = arith.constant 16 : i32
      %parallel_loop3A_138 = arith.muli %parallel_loop3A_136, %parallel_loop3A_137 : i32
      %parallel_loop3A_139 = arith.addi %parallel_loop3A_134, %parallel_loop3A_138 : i32
      %parallel_loop3A_140 = arith.constant 0 : i32
      %parallel_loop3A_141 = vector.broadcast %parallel_loop3A_140 : i32 to vector<16xi32>
      %parallel_loop3A_142 = arith.addi %parallel_loop3A_130, %parallel_loop3A_141 : vector<16xi32>
      %parallel_loop3A_143 = tpu.vector_load_idx %arg9[%parallel_loop3A_142] : memref<8192xf32, #tpu.memory_space<vmem>>[vector<16xi32>], vector<16xf32>,
      %parallel_loop3A_144 = arith.constant 0 : i32
      %parallel_loop3A_145 = arith.addi %parallel_loop3A_139, %parallel_loop3A_144 : i32
      %parallel_loop3A_146 = arith.index_cast %parallel_loop3A_145 : i32 to index
      %parallel_loop3A_147 = tpu.vector_load %arg11[%parallel_loop3A_146] {strides = array<i32>} : memref<16384xf32, #tpu.memory_space<vmem>>, vector<16xf32>,
      tpu.vector_store %arg11[%parallel_loop3A_146], %parallel_loop3A_143 {strides = array<i32>} : memref<16384xf32, #tpu.memory_space<vmem>>, vector<16xf32>,
      %parallel_loop3A_148 = arith.constant 128 : i32
      %parallel_loop3A_149 = vector.broadcast %parallel_loop3A_148 : i32 to vector<16xi32>
      %parallel_loop3A_150 = arith.addi %parallel_loop3A_130, %parallel_loop3A_149 : vector<16xi32>
      %parallel_loop3A_151 = tpu.vector_load_idx %arg9[%parallel_loop3A_150] : memref<8192xf32, #tpu.memory_space<vmem>>[vector<16xi32>], vector<16xf32>,
      %parallel_loop3A_152 = arith.constant 128 : i32
      %parallel_loop3A_153 = arith.addi %parallel_loop3A_139, %parallel_loop3A_152 : i32
      %parallel_loop3A_154 = arith.index_cast %parallel_loop3A_153 : i32 to index
      %parallel_loop3A_155 = tpu.vector_load %arg11[%parallel_loop3A_154] {strides = array<i32>} : memref<16384xf32, #tpu.memory_space<vmem>>, vector<16xf32>,
      tpu.vector_store %arg11[%parallel_loop3A_154], %parallel_loop3A_151 {strides = array<i32>} : memref<16384xf32, #tpu.memory_space<vmem>>, vector<16xf32>,
      %parallel_loop3A_156 = arith.constant 256 : i32
      %parallel_loop3A_157 = vector.broadcast %parallel_loop3A_156 : i32 to vector<16xi32>
      %parallel_loop3A_158 = arith.addi %parallel_loop3A_130, %parallel_loop3A_157 : vector<16xi32>
      %parallel_loop3A_159 = tpu.vector_load_idx %arg9[%parallel_loop3A_158] : memref<8192xf32, #tpu.memory_space<vmem>>[vector<16xi32>], vector<16xf32>,
      %parallel_loop3A_160 = arith.constant 256 : i32
      %parallel_loop3A_161 = arith.addi %parallel_loop3A_139, %parallel_loop3A_160 : i32
      %parallel_loop3A_162 = arith.index_cast %parallel_loop3A_161 : i32 to index
      %parallel_loop3A_163 = tpu.vector_load %arg11[%parallel_loop3A_162] {strides = array<i32>} : memref<16384xf32, #tpu.memory_space<vmem>>, vector<16xf32>,
      tpu.vector_store %arg11[%parallel_loop3A_162], %parallel_loop3A_159 {strides = array<i32>} : memref<16384xf32, #tpu.memory_space<vmem>>, vector<16xf32>,
      %parallel_loop3A_164 = arith.constant 384 : i32
      %parallel_loop3A_165 = vector.broadcast %parallel_loop3A_164 : i32 to vector<16xi32>
      %parallel_loop3A_166 = arith.addi %parallel_loop3A_130, %parallel_loop3A_165 : vector<16xi32>
      %parallel_loop3A_167 = tpu.vector_load_idx %arg9[%parallel_loop3A_166] : memref<8192xf32, #tpu.memory_space<vmem>>[vector<16xi32>], vector<16xf32>,
      %parallel_loop3A_168 = arith.constant 384 : i32
      %parallel_loop3A_169 = arith.addi %parallel_loop3A_139, %parallel_loop3A_168 : i32
      %parallel_loop3A_170 = arith.index_cast %parallel_loop3A_169 : i32 to index
      %parallel_loop3A_171 = tpu.vector_load %arg11[%parallel_loop3A_170] {strides = array<i32>} : memref<16384xf32, #tpu.memory_space<vmem>>, vector<16xf32>,
      tpu.vector_store %arg11[%parallel_loop3A_170], %parallel_loop3A_167 {strides = array<i32>} : memref<16384xf32, #tpu.memory_space<vmem>>, vector<16xf32>,
      %parallel_loop3A_172 = arith.constant 512 : i32
      %parallel_loop3A_173 = vector.broadcast %parallel_loop3A_172 : i32 to vector<16xi32>
      %parallel_loop3A_174 = arith.addi %parallel_loop3A_130, %parallel_loop3A_173 : vector<16xi32>
      %parallel_loop3A_175 = tpu.vector_load_idx %arg9[%parallel_loop3A_174] : memref<8192xf32, #tpu.memory_space<vmem>>[vector<16xi32>], vector<16xf32>,
      %parallel_loop3A_176 = arith.constant 512 : i32
      %parallel_loop3A_177 = arith.addi %parallel_loop3A_139, %parallel_loop3A_176 : i32
      %parallel_loop3A_178 = arith.index_cast %parallel_loop3A_177 : i32 to index
      %parallel_loop3A_179 = tpu.vector_load %arg11[%parallel_loop3A_178] {strides = array<i32>} : memref<16384xf32, #tpu.memory_space<vmem>>, vector<16xf32>,
      tpu.vector_store %arg11[%parallel_loop3A_178], %parallel_loop3A_175 {strides = array<i32>} : memref<16384xf32, #tpu.memory_space<vmem>>, vector<16xf32>,
      %parallel_loop3A_180 = arith.constant 640 : i32
      %parallel_loop3A_181 = vector.broadcast %parallel_loop3A_180 : i32 to vector<16xi32>
      %parallel_loop3A_182 = arith.addi %parallel_loop3A_130, %parallel_loop3A_181 : vector<16xi32>
      %parallel_loop3A_183 = tpu.vector_load_idx %arg9[%parallel_loop3A_182] : memref<8192xf32, #tpu.memory_space<vmem>>[vector<16xi32>], vector<16xf32>,
      %parallel_loop3A_184 = arith.constant 640 : i32
      %parallel_loop3A_185 = arith.addi %parallel_loop3A_139, %parallel_loop3A_184 : i32
      %parallel_loop3A_186 = arith.index_cast %parallel_loop3A_185 : i32 to index
      %parallel_loop3A_187 = tpu.vector_load %arg11[%parallel_loop3A_186] {strides = array<i32>} : memref<16384xf32, #tpu.memory_space<vmem>>, vector<16xf32>,
      tpu.vector_store %arg11[%parallel_loop3A_186], %parallel_loop3A_183 {strides = array<i32>} : memref<16384xf32, #tpu.memory_space<vmem>>, vector<16xf32>,
      %parallel_loop3A_188 = arith.constant 768 : i32
      %parallel_loop3A_189 = vector.broadcast %parallel_loop3A_188 : i32 to vector<16xi32>
      %parallel_loop3A_190 = arith.addi %parallel_loop3A_130, %parallel_loop3A_189 : vector<16xi32>
      %parallel_loop3A_191 = tpu.vector_load_idx %arg9[%parallel_loop3A_190] : memref<8192xf32, #tpu.memory_space<vmem>>[vector<16xi32>], vector<16xf32>,
      %parallel_loop3A_192 = arith.constant 768 : i32
      %parallel_loop3A_193 = arith.addi %parallel_loop3A_139, %parallel_loop3A_192 : i32
      %parallel_loop3A_194 = arith.index_cast %parallel_loop3A_193 : i32 to index
      %parallel_loop3A_195 = tpu.vector_load %arg11[%parallel_loop3A_194] {strides = array<i32>} : memref<16384xf32, #tpu.memory_space<vmem>>, vector<16xf32>,
      tpu.vector_store %arg11[%parallel_loop3A_194], %parallel_loop3A_191 {strides = array<i32>} : memref<16384xf32, #tpu.memory_space<vmem>>, vector<16xf32>,
      %parallel_loop3A_196 = arith.constant 896 : i32
      %parallel_loop3A_197 = vector.broadcast %parallel_loop3A_196 : i32 to vector<16xi32>
      %parallel_loop3A_198 = arith.addi %parallel_loop3A_130, %parallel_loop3A_197 : vector<16xi32>
      %parallel_loop3A_199 = tpu.vector_load_idx %arg9[%parallel_loop3A_198] : memref<8192xf32, #tpu.memory_space<vmem>>[vector<16xi32>], vector<16xf32>,
      %parallel_loop3A_200 = arith.constant 896 : i32
      %parallel_loop3A_201 = arith.addi %parallel_loop3A_139, %parallel_loop3A_200 : i32
      %parallel_loop3A_202 = arith.index_cast %parallel_loop3A_201 : i32 to index
      %parallel_loop3A_203 = tpu.vector_load %arg11[%parallel_loop3A_202] {strides = array<i32>} : memref<16384xf32, #tpu.memory_space<vmem>>, vector<16xf32>,
      tpu.vector_store %arg11[%parallel_loop3A_202], %parallel_loop3A_199 {strides = array<i32>} : memref<16384xf32, #tpu.memory_space<vmem>>, vector<16xf32>,
    } {sc.loop_unroll_factor = 4 : i64, sc.parallel_access}
    %mul3A_95 = arith.constant 131072 : i32
    %mul3A_96 = arith.muli %select_n3A, %mul3A_95 : i32
    %mul3A_97 = arith.constant 16384 : i32
    %mul3A_98 = arith.muli %select_n3A_30, %mul3A_97 : i32
    %add3A_99 = arith.addi %mul3A_96, %mul3A_98 : i32
    %dma_start3A_100 = tpu.memref_slice %arg5[%add3A_99] : memref<524288xf32, #tpu.memory_space<hbm>> -> memref<16384xf32, #tpu.memory_space<hbm>>
    %dma_start3A_101 = tpu.memref_slice %arg5[%add3A_99] : memref<524288xf32, #tpu.memory_space<hbm>> -> memref<16384xf32, #tpu.memory_space<hbm>>
    tpu.enqueue_dma source(%arg11 : memref<16384xf32, #tpu.memory_space<vmem>>) target(%dma_start3A_101 : memref<16384xf32, #tpu.memory_space<hbm>>) target_semaphore(%arg13 : memref<!tpu.dma_semaphore, #tpu.memory_space<semaphore_mem>>)
    %parallel_loop3A_102 = arith.constant 0 : i32
    %parallel_loop3A_103 = arith.constant 256 : i32
    %parallel_loop3A_104 = arith.constant 1 : i32
    scf.for %parallel_loop3A_116 = %parallel_loop3A_102 to %parallel_loop3A_103 step %parallel_loop3A_104  : i32 {
      %parallel_loop3A_117 = arith.constant 16 : i32
      %parallel_loop3A_118 = arith.muli %parallel_loop3A_116, %parallel_loop3A_117 : i32
      %parallel_loop3A_119 = arith.index_cast %parallel_loop3A_118 : i32 to index
      %parallel_loop3A_120 = tpu.vector_load %arg8[%parallel_loop3A_119] {strides = array<i32>} : memref<4096xi32, #tpu.memory_space<vmem>>, vector<16xi32>,
      %parallel_loop3A_121 = arith.constant 7 : i32
      %parallel_loop3A_122 = vector.broadcast %parallel_loop3A_121 : i32 to vector<16xi32>
      %parallel_loop3A_123 = arith.shrui %parallel_loop3A_120, %parallel_loop3A_122 : vector<16xi32>
      %parallel_loop3A_124 = arith.constant 10 : i32
      %parallel_loop3A_125 = vector.broadcast %parallel_loop3A_124 : i32 to vector<16xi32>
      %parallel_loop3A_126 = arith.shli %parallel_loop3A_123, %parallel_loop3A_125 : vector<16xi32>
      %parallel_loop3A_127 = arith.constant 127 : i32
      %parallel_loop3A_128 = vector.broadcast %parallel_loop3A_127 : i32 to vector<16xi32>
      %parallel_loop3A_129 = arith.andi %parallel_loop3A_120, %parallel_loop3A_128 : vector<16xi32>
      %parallel_loop3A_130 = arith.addi %parallel_loop3A_126, %parallel_loop3A_129 : vector<16xi32>
      %parallel_loop3A_131 = arith.constant 3 : i32
      %parallel_loop3A_132 = arith.shrsi %parallel_loop3A_116, %parallel_loop3A_131 : i32
      %parallel_loop3A_133 = arith.constant 1024 : i32
      %parallel_loop3A_134 = arith.muli %parallel_loop3A_132, %parallel_loop3A_133 : i32
      %parallel_loop3A_135 = arith.constant 7 : i32
      %parallel_loop3A_136 = arith.andi %parallel_loop3A_116, %parallel_loop3A_135 : i32
      %parallel_loop3A_137 = arith.constant 16 : i32
      %parallel_loop3A_138 = arith.muli %parallel_loop3A_136, %parallel_loop3A_137 : i32
      %parallel_loop3A_139 = arith.addi %parallel_loop3A_134, %parallel_loop3A_138 : i32
      %parallel_loop3A_140 = arith.constant 0 : i32
      %parallel_loop3A_141 = vector.broadcast %parallel_loop3A_140 : i32 to vector<16xi32>
      %parallel_loop3A_142 = arith.addi %parallel_loop3A_130, %parallel_loop3A_141 : vector<16xi32>
      %parallel_loop3A_143 = tpu.vector_load_idx %arg10[%parallel_loop3A_142] : memref<8192xf32, #tpu.memory_space<vmem>>[vector<16xi32>], vector<16xf32>,
      %parallel_loop3A_144 = arith.constant 0 : i32
      %parallel_loop3A_145 = arith.addi %parallel_loop3A_139, %parallel_loop3A_144 : i32
      %parallel_loop3A_146 = arith.index_cast %parallel_loop3A_145 : i32 to index
      %parallel_loop3A_147 = tpu.vector_load %arg12[%parallel_loop3A_146] {strides = array<i32>} : memref<32768xf32, #tpu.memory_space<vmem>>, vector<16xf32>,
      tpu.vector_store %arg12[%parallel_loop3A_146], %parallel_loop3A_143 {strides = array<i32>} : memref<32768xf32, #tpu.memory_space<vmem>>, vector<16xf32>,
      %parallel_loop3A_148 = arith.constant 128 : i32
      %parallel_loop3A_149 = vector.broadcast %parallel_loop3A_148 : i32 to vector<16xi32>
      %parallel_loop3A_150 = arith.addi %parallel_loop3A_130, %parallel_loop3A_149 : vector<16xi32>
      %parallel_loop3A_151 = tpu.vector_load_idx %arg10[%parallel_loop3A_150] : memref<8192xf32, #tpu.memory_space<vmem>>[vector<16xi32>], vector<16xf32>,
      %parallel_loop3A_152 = arith.constant 128 : i32
      %parallel_loop3A_153 = arith.addi %parallel_loop3A_139, %parallel_loop3A_152 : i32
      %parallel_loop3A_154 = arith.index_cast %parallel_loop3A_153 : i32 to index
      %parallel_loop3A_155 = tpu.vector_load %arg12[%parallel_loop3A_154] {strides = array<i32>} : memref<32768xf32, #tpu.memory_space<vmem>>, vector<16xf32>,
      tpu.vector_store %arg12[%parallel_loop3A_154], %parallel_loop3A_151 {strides = array<i32>} : memref<32768xf32, #tpu.memory_space<vmem>>, vector<16xf32>,
      %parallel_loop3A_156 = arith.constant 256 : i32
      %parallel_loop3A_157 = vector.broadcast %parallel_loop3A_156 : i32 to vector<16xi32>
      %parallel_loop3A_158 = arith.addi %parallel_loop3A_130, %parallel_loop3A_157 : vector<16xi32>
      %parallel_loop3A_159 = tpu.vector_load_idx %arg10[%parallel_loop3A_158] : memref<8192xf32, #tpu.memory_space<vmem>>[vector<16xi32>], vector<16xf32>,
      %parallel_loop3A_160 = arith.constant 256 : i32
      %parallel_loop3A_161 = arith.addi %parallel_loop3A_139, %parallel_loop3A_160 : i32
      %parallel_loop3A_162 = arith.index_cast %parallel_loop3A_161 : i32 to index
      %parallel_loop3A_163 = tpu.vector_load %arg12[%parallel_loop3A_162] {strides = array<i32>} : memref<32768xf32, #tpu.memory_space<vmem>>, vector<16xf32>,
      tpu.vector_store %arg12[%parallel_loop3A_162], %parallel_loop3A_159 {strides = array<i32>} : memref<32768xf32, #tpu.memory_space<vmem>>, vector<16xf32>,
      %parallel_loop3A_164 = arith.constant 384 : i32
      %parallel_loop3A_165 = vector.broadcast %parallel_loop3A_164 : i32 to vector<16xi32>
      %parallel_loop3A_166 = arith.addi %parallel_loop3A_130, %parallel_loop3A_165 : vector<16xi32>
      %parallel_loop3A_167 = tpu.vector_load_idx %arg10[%parallel_loop3A_166] : memref<8192xf32, #tpu.memory_space<vmem>>[vector<16xi32>], vector<16xf32>,
      %parallel_loop3A_168 = arith.constant 384 : i32
      %parallel_loop3A_169 = arith.addi %parallel_loop3A_139, %parallel_loop3A_168 : i32
      %parallel_loop3A_170 = arith.index_cast %parallel_loop3A_169 : i32 to index
      %parallel_loop3A_171 = tpu.vector_load %arg12[%parallel_loop3A_170] {strides = array<i32>} : memref<32768xf32, #tpu.memory_space<vmem>>, vector<16xf32>,
      tpu.vector_store %arg12[%parallel_loop3A_170], %parallel_loop3A_167 {strides = array<i32>} : memref<32768xf32, #tpu.memory_space<vmem>>, vector<16xf32>,
      %parallel_loop3A_172 = arith.constant 512 : i32
      %parallel_loop3A_173 = vector.broadcast %parallel_loop3A_172 : i32 to vector<16xi32>
      %parallel_loop3A_174 = arith.addi %parallel_loop3A_130, %parallel_loop3A_173 : vector<16xi32>
      %parallel_loop3A_175 = tpu.vector_load_idx %arg10[%parallel_loop3A_174] : memref<8192xf32, #tpu.memory_space<vmem>>[vector<16xi32>], vector<16xf32>,
      %parallel_loop3A_176 = arith.constant 512 : i32
      %parallel_loop3A_177 = arith.addi %parallel_loop3A_139, %parallel_loop3A_176 : i32
      %parallel_loop3A_178 = arith.index_cast %parallel_loop3A_177 : i32 to index
      %parallel_loop3A_179 = tpu.vector_load %arg12[%parallel_loop3A_178] {strides = array<i32>} : memref<32768xf32, #tpu.memory_space<vmem>>, vector<16xf32>,
      tpu.vector_store %arg12[%parallel_loop3A_178], %parallel_loop3A_175 {strides = array<i32>} : memref<32768xf32, #tpu.memory_space<vmem>>, vector<16xf32>,
      %parallel_loop3A_180 = arith.constant 640 : i32
      %parallel_loop3A_181 = vector.broadcast %parallel_loop3A_180 : i32 to vector<16xi32>
      %parallel_loop3A_182 = arith.addi %parallel_loop3A_130, %parallel_loop3A_181 : vector<16xi32>
      %parallel_loop3A_183 = tpu.vector_load_idx %arg10[%parallel_loop3A_182] : memref<8192xf32, #tpu.memory_space<vmem>>[vector<16xi32>], vector<16xf32>,
      %parallel_loop3A_184 = arith.constant 640 : i32
      %parallel_loop3A_185 = arith.addi %parallel_loop3A_139, %parallel_loop3A_184 : i32
      %parallel_loop3A_186 = arith.index_cast %parallel_loop3A_185 : i32 to index
      %parallel_loop3A_187 = tpu.vector_load %arg12[%parallel_loop3A_186] {strides = array<i32>} : memref<32768xf32, #tpu.memory_space<vmem>>, vector<16xf32>,
      tpu.vector_store %arg12[%parallel_loop3A_186], %parallel_loop3A_183 {strides = array<i32>} : memref<32768xf32, #tpu.memory_space<vmem>>, vector<16xf32>,
      %parallel_loop3A_188 = arith.constant 768 : i32
      %parallel_loop3A_189 = vector.broadcast %parallel_loop3A_188 : i32 to vector<16xi32>
      %parallel_loop3A_190 = arith.addi %parallel_loop3A_130, %parallel_loop3A_189 : vector<16xi32>
      %parallel_loop3A_191 = tpu.vector_load_idx %arg10[%parallel_loop3A_190] : memref<8192xf32, #tpu.memory_space<vmem>>[vector<16xi32>], vector<16xf32>,
      %parallel_loop3A_192 = arith.constant 768 : i32
      %parallel_loop3A_193 = arith.addi %parallel_loop3A_139, %parallel_loop3A_192 : i32
      %parallel_loop3A_194 = arith.index_cast %parallel_loop3A_193 : i32 to index
      %parallel_loop3A_195 = tpu.vector_load %arg12[%parallel_loop3A_194] {strides = array<i32>} : memref<32768xf32, #tpu.memory_space<vmem>>, vector<16xf32>,
      tpu.vector_store %arg12[%parallel_loop3A_194], %parallel_loop3A_191 {strides = array<i32>} : memref<32768xf32, #tpu.memory_space<vmem>>, vector<16xf32>,
      %parallel_loop3A_196 = arith.constant 896 : i32
      %parallel_loop3A_197 = vector.broadcast %parallel_loop3A_196 : i32 to vector<16xi32>
      %parallel_loop3A_198 = arith.addi %parallel_loop3A_130, %parallel_loop3A_197 : vector<16xi32>
      %parallel_loop3A_199 = tpu.vector_load_idx %arg10[%parallel_loop3A_198] : memref<8192xf32, #tpu.memory_space<vmem>>[vector<16xi32>], vector<16xf32>,
      %parallel_loop3A_200 = arith.constant 896 : i32
      %parallel_loop3A_201 = arith.addi %parallel_loop3A_139, %parallel_loop3A_200 : i32
      %parallel_loop3A_202 = arith.index_cast %parallel_loop3A_201 : i32 to index
      %parallel_loop3A_203 = tpu.vector_load %arg12[%parallel_loop3A_202] {strides = array<i32>} : memref<32768xf32, #tpu.memory_space<vmem>>, vector<16xf32>,
      tpu.vector_store %arg12[%parallel_loop3A_202], %parallel_loop3A_199 {strides = array<i32>} : memref<32768xf32, #tpu.memory_space<vmem>>, vector<16xf32>,
    } {sc.loop_unroll_factor = 4 : i64, sc.parallel_access}
    %mul3A_105 = arith.constant 131072 : i32
    %mul3A_106 = arith.muli %select_n3A_54, %mul3A_105 : i32
    %mul3A_107 = arith.constant 32768 : i32
    %mul3A_108 = arith.muli %select_n3A_70, %mul3A_107 : i32
    %add3A_109 = arith.addi %mul3A_106, %mul3A_108 : i32
    %dma_start3A_110 = tpu.memref_slice %arg6[%add3A_109] : memref<1048576xf32, #tpu.memory_space<hbm>> -> memref<32768xf32, #tpu.memory_space<hbm>>
    %dma_start3A_111 = tpu.memref_slice %arg6[%add3A_109] : memref<1048576xf32, #tpu.memory_space<hbm>> -> memref<32768xf32, #tpu.memory_space<hbm>>
    tpu.enqueue_dma source(%arg12 : memref<32768xf32, #tpu.memory_space<vmem>>) target(%dma_start3A_111 : memref<32768xf32, #tpu.memory_space<hbm>>) target_semaphore(%arg13 : memref<!tpu.dma_semaphore, #tpu.memory_space<semaphore_mem>>)
    %dma_wait3A_112 = tpu.memref_slice %arg5[%add3A_99] : memref<524288xf32, #tpu.memory_space<hbm>> -> memref<16384xf32, #tpu.memory_space<hbm>>
    %dma_wait3A_113 = tpu.memref_slice %arg5[%add3A_99] : memref<524288xf32, #tpu.memory_space<hbm>> -> memref<16384xf32, #tpu.memory_space<hbm>>
    tpu.wait_dma2 semaphore(%arg13 : memref<!tpu.dma_semaphore, #tpu.memory_space<semaphore_mem>>) src(%arg11 : memref<16384xf32, #tpu.memory_space<vmem>>) dst(%dma_wait3A_113 : memref<16384xf32, #tpu.memory_space<hbm>>)
    %dma_wait3A_114 = tpu.memref_slice %arg6[%add3A_109] : memref<1048576xf32, #tpu.memory_space<hbm>> -> memref<32768xf32, #tpu.memory_space<hbm>>
    %dma_wait3A_115 = tpu.memref_slice %arg6[%add3A_109] : memref<1048576xf32, #tpu.memory_space<hbm>> -> memref<32768xf32, #tpu.memory_space<hbm>>
    tpu.wait_dma2 semaphore(%arg13 : memref<!tpu.dma_semaphore, #tpu.memory_space<semaphore_mem>>) src(%arg12 : memref<32768xf32, #tpu.memory_space<vmem>>) dst(%dma_wait3A_115 : memref<32768xf32, #tpu.memory_space<hbm>>)
    return
  }
}

module attributes {stable_mosaic.version = 14 : i64} {
  func.func @_renorm_t_body(%arg0: memref<32x1000xf32, #tpu.memory_space<vmem>>, %arg1: memref<64x1000xf32, #tpu.memory_space<vmem>>, %arg2: memref<32768xf32, #tpu.memory_space<vmem>>, %arg3: memref<65536xf32, #tpu.memory_space<vmem>>) attributes {dimension_semantics = [], scalar_prefetch = 0 : i64, scratch_operands = 0 : i64, tpu.core_type = #tpu.core_type<tc>} {
    %get3A = arith.constant 0 : index
    %get3A_0 = arith.constant 0 : index
    %get3A_1 = vector.load %arg0[%get3A, %get3A_0] : memref<32x1000xf32, #tpu.memory_space<vmem>>, vector<32x1000xf32>
    %broadcast_in_dim3A = arith.constant 0.000000e+00 : f32
    %broadcast_in_dim3A_2 = vector.broadcast %broadcast_in_dim3A : f32 to vector<32x24xf32>
    %concatenate3A = tpu.concatenate %get3A_1, %broadcast_in_dim3A_2 in 1 : vector<32x1000xf32>, vector<32x24xf32> -> vector<32x1024xf32>
    %mul3A = arith.mulf %concatenate3A, %concatenate3A : vector<32x1024xf32>
    %reduce_sum3A = arith.constant dense<0.000000e+00> : vector<1024xf32>
    %reduce_sum3A_3 = vector.multi_reduction <add>, %mul3A, %reduce_sum3A [0] : vector<32x1024xf32> to vector<1024xf32>
    %broadcast_in_dim3A_4 = vector.shape_cast %reduce_sum3A_3 : vector<1024xf32> to vector<1x1024xf32>
    %sqrt3A = math.sqrt %broadcast_in_dim3A_4 : vector<1x1024xf32>
    %gt3A = arith.constant 5.65685415 : f32
    %gt3A_5 = vector.broadcast %gt3A : f32 to vector<1x1024xf32>
    %gt3A_6 = arith.cmpf ogt, %sqrt3A, %gt3A_5 : vector<1x1024xf32>
    %add3A = arith.constant 1.000000e-07 : f32
    %add3A_7 = vector.broadcast %add3A : f32 to vector<1x1024xf32>
    %add3A_8 = arith.addf %sqrt3A, %add3A_7 : vector<1x1024xf32>
    %div3A = arith.constant 5.65685415 : f32
    %div3A_9 = vector.broadcast %div3A : f32 to vector<1x1024xf32>
    %div3A_10 = arith.divf %div3A_9, %add3A_8 : vector<1x1024xf32>
    %jit3A = arith.constant 1.000000e+00 : f32
    %broadcast_in_dim3A_11 = vector.broadcast %jit3A : f32 to vector<1x1024xf32>
    %select_n3A = arith.select %gt3A_6, %div3A_10, %broadcast_in_dim3A_11 : vector<1x1024xi1>, vector<1x1024xf32>
    %mul3A_12 = vector.broadcast %select_n3A : vector<1x1024xf32> to vector<32x1024xf32>
    %mul3A_13 = arith.mulf %concatenate3A, %mul3A_12 : vector<32x1024xf32>
    %slice3A = vector.extract_strided_slice %mul3A_13 {offsets = [0, 0], sizes = [8, 128], strides = [1, 1]} : vector<32x1024xf32> to vector<8x128xf32>
    %reshape3A = vector.shape_cast %slice3A : vector<8x128xf32> to vector<1024xf32>
    %swap3A = arith.constant 0 : index
    %swap3A_14 = vector.load %arg2[%swap3A] : memref<32768xf32, #tpu.memory_space<vmem>>, vector<1024xf32>
    tpu.vector_store %arg2[%swap3A], %reshape3A {strides = array<i32>} : memref<32768xf32, #tpu.memory_space<vmem>>, vector<1024xf32>,
    %slice3A_15 = vector.extract_strided_slice %mul3A_13 {offsets = [0, 128], sizes = [8, 128], strides = [1, 1]} : vector<32x1024xf32> to vector<8x128xf32>
    %reshape3A_16 = vector.shape_cast %slice3A_15 : vector<8x128xf32> to vector<1024xf32>
    %swap3A_17 = arith.constant 1024 : index
    %swap3A_18 = vector.load %arg2[%swap3A_17] : memref<32768xf32, #tpu.memory_space<vmem>>, vector<1024xf32>
    tpu.vector_store %arg2[%swap3A_17], %reshape3A_16 {strides = array<i32>} : memref<32768xf32, #tpu.memory_space<vmem>>, vector<1024xf32>,
    %slice3A_19 = vector.extract_strided_slice %mul3A_13 {offsets = [0, 256], sizes = [8, 128], strides = [1, 1]} : vector<32x1024xf32> to vector<8x128xf32>
    %reshape3A_20 = vector.shape_cast %slice3A_19 : vector<8x128xf32> to vector<1024xf32>
    %swap3A_21 = arith.constant 2048 : index
    %swap3A_22 = vector.load %arg2[%swap3A_21] : memref<32768xf32, #tpu.memory_space<vmem>>, vector<1024xf32>
    tpu.vector_store %arg2[%swap3A_21], %reshape3A_20 {strides = array<i32>} : memref<32768xf32, #tpu.memory_space<vmem>>, vector<1024xf32>,
    %slice3A_23 = vector.extract_strided_slice %mul3A_13 {offsets = [0, 384], sizes = [8, 128], strides = [1, 1]} : vector<32x1024xf32> to vector<8x128xf32>
    %reshape3A_24 = vector.shape_cast %slice3A_23 : vector<8x128xf32> to vector<1024xf32>
    %swap3A_25 = arith.constant 3072 : index
    %swap3A_26 = vector.load %arg2[%swap3A_25] : memref<32768xf32, #tpu.memory_space<vmem>>, vector<1024xf32>
    tpu.vector_store %arg2[%swap3A_25], %reshape3A_24 {strides = array<i32>} : memref<32768xf32, #tpu.memory_space<vmem>>, vector<1024xf32>,
    %slice3A_27 = vector.extract_strided_slice %mul3A_13 {offsets = [0, 512], sizes = [8, 128], strides = [1, 1]} : vector<32x1024xf32> to vector<8x128xf32>
    %reshape3A_28 = vector.shape_cast %slice3A_27 : vector<8x128xf32> to vector<1024xf32>
    %swap3A_29 = arith.constant 4096 : index
    %swap3A_30 = vector.load %arg2[%swap3A_29] : memref<32768xf32, #tpu.memory_space<vmem>>, vector<1024xf32>
    tpu.vector_store %arg2[%swap3A_29], %reshape3A_28 {strides = array<i32>} : memref<32768xf32, #tpu.memory_space<vmem>>, vector<1024xf32>,
    %slice3A_31 = vector.extract_strided_slice %mul3A_13 {offsets = [0, 640], sizes = [8, 128], strides = [1, 1]} : vector<32x1024xf32> to vector<8x128xf32>
    %reshape3A_32 = vector.shape_cast %slice3A_31 : vector<8x128xf32> to vector<1024xf32>
    %swap3A_33 = arith.constant 5120 : index
    %swap3A_34 = vector.load %arg2[%swap3A_33] : memref<32768xf32, #tpu.memory_space<vmem>>, vector<1024xf32>
    tpu.vector_store %arg2[%swap3A_33], %reshape3A_32 {strides = array<i32>} : memref<32768xf32, #tpu.memory_space<vmem>>, vector<1024xf32>,
    %slice3A_35 = vector.extract_strided_slice %mul3A_13 {offsets = [0, 768], sizes = [8, 128], strides = [1, 1]} : vector<32x1024xf32> to vector<8x128xf32>
    %reshape3A_36 = vector.shape_cast %slice3A_35 : vector<8x128xf32> to vector<1024xf32>
    %swap3A_37 = arith.constant 6144 : index
    %swap3A_38 = vector.load %arg2[%swap3A_37] : memref<32768xf32, #tpu.memory_space<vmem>>, vector<1024xf32>
    tpu.vector_store %arg2[%swap3A_37], %reshape3A_36 {strides = array<i32>} : memref<32768xf32, #tpu.memory_space<vmem>>, vector<1024xf32>,
    %slice3A_39 = vector.extract_strided_slice %mul3A_13 {offsets = [0, 896], sizes = [8, 128], strides = [1, 1]} : vector<32x1024xf32> to vector<8x128xf32>
    %reshape3A_40 = vector.shape_cast %slice3A_39 : vector<8x128xf32> to vector<1024xf32>
    %swap3A_41 = arith.constant 7168 : index
    %swap3A_42 = vector.load %arg2[%swap3A_41] : memref<32768xf32, #tpu.memory_space<vmem>>, vector<1024xf32>
    tpu.vector_store %arg2[%swap3A_41], %reshape3A_40 {strides = array<i32>} : memref<32768xf32, #tpu.memory_space<vmem>>, vector<1024xf32>,
    %slice3A_43 = vector.extract_strided_slice %mul3A_13 {offsets = [8, 0], sizes = [8, 128], strides = [1, 1]} : vector<32x1024xf32> to vector<8x128xf32>
    %reshape3A_44 = vector.shape_cast %slice3A_43 : vector<8x128xf32> to vector<1024xf32>
    %swap3A_45 = arith.constant 8192 : index
    %swap3A_46 = vector.load %arg2[%swap3A_45] : memref<32768xf32, #tpu.memory_space<vmem>>, vector<1024xf32>
    tpu.vector_store %arg2[%swap3A_45], %reshape3A_44 {strides = array<i32>} : memref<32768xf32, #tpu.memory_space<vmem>>, vector<1024xf32>,
    %slice3A_47 = vector.extract_strided_slice %mul3A_13 {offsets = [8, 128], sizes = [8, 128], strides = [1, 1]} : vector<32x1024xf32> to vector<8x128xf32>
    %reshape3A_48 = vector.shape_cast %slice3A_47 : vector<8x128xf32> to vector<1024xf32>
    %swap3A_49 = arith.constant 9216 : index
    %swap3A_50 = vector.load %arg2[%swap3A_49] : memref<32768xf32, #tpu.memory_space<vmem>>, vector<1024xf32>
    tpu.vector_store %arg2[%swap3A_49], %reshape3A_48 {strides = array<i32>} : memref<32768xf32, #tpu.memory_space<vmem>>, vector<1024xf32>,
    %slice3A_51 = vector.extract_strided_slice %mul3A_13 {offsets = [8, 256], sizes = [8, 128], strides = [1, 1]} : vector<32x1024xf32> to vector<8x128xf32>
    %reshape3A_52 = vector.shape_cast %slice3A_51 : vector<8x128xf32> to vector<1024xf32>
    %swap3A_53 = arith.constant 10240 : index
    %swap3A_54 = vector.load %arg2[%swap3A_53] : memref<32768xf32, #tpu.memory_space<vmem>>, vector<1024xf32>
    tpu.vector_store %arg2[%swap3A_53], %reshape3A_52 {strides = array<i32>} : memref<32768xf32, #tpu.memory_space<vmem>>, vector<1024xf32>,
    %slice3A_55 = vector.extract_strided_slice %mul3A_13 {offsets = [8, 384], sizes = [8, 128], strides = [1, 1]} : vector<32x1024xf32> to vector<8x128xf32>
    %reshape3A_56 = vector.shape_cast %slice3A_55 : vector<8x128xf32> to vector<1024xf32>
    %swap3A_57 = arith.constant 11264 : index
    %swap3A_58 = vector.load %arg2[%swap3A_57] : memref<32768xf32, #tpu.memory_space<vmem>>, vector<1024xf32>
    tpu.vector_store %arg2[%swap3A_57], %reshape3A_56 {strides = array<i32>} : memref<32768xf32, #tpu.memory_space<vmem>>, vector<1024xf32>,
    %slice3A_59 = vector.extract_strided_slice %mul3A_13 {offsets = [8, 512], sizes = [8, 128], strides = [1, 1]} : vector<32x1024xf32> to vector<8x128xf32>
    %reshape3A_60 = vector.shape_cast %slice3A_59 : vector<8x128xf32> to vector<1024xf32>
    %swap3A_61 = arith.constant 12288 : index
    %swap3A_62 = vector.load %arg2[%swap3A_61] : memref<32768xf32, #tpu.memory_space<vmem>>, vector<1024xf32>
    tpu.vector_store %arg2[%swap3A_61], %reshape3A_60 {strides = array<i32>} : memref<32768xf32, #tpu.memory_space<vmem>>, vector<1024xf32>,
    %slice3A_63 = vector.extract_strided_slice %mul3A_13 {offsets = [8, 640], sizes = [8, 128], strides = [1, 1]} : vector<32x1024xf32> to vector<8x128xf32>
    %reshape3A_64 = vector.shape_cast %slice3A_63 : vector<8x128xf32> to vector<1024xf32>
    %swap3A_65 = arith.constant 13312 : index
    %swap3A_66 = vector.load %arg2[%swap3A_65] : memref<32768xf32, #tpu.memory_space<vmem>>, vector<1024xf32>
    tpu.vector_store %arg2[%swap3A_65], %reshape3A_64 {strides = array<i32>} : memref<32768xf32, #tpu.memory_space<vmem>>, vector<1024xf32>,
    %slice3A_67 = vector.extract_strided_slice %mul3A_13 {offsets = [8, 768], sizes = [8, 128], strides = [1, 1]} : vector<32x1024xf32> to vector<8x128xf32>
    %reshape3A_68 = vector.shape_cast %slice3A_67 : vector<8x128xf32> to vector<1024xf32>
    %swap3A_69 = arith.constant 14336 : index
    %swap3A_70 = vector.load %arg2[%swap3A_69] : memref<32768xf32, #tpu.memory_space<vmem>>, vector<1024xf32>
    tpu.vector_store %arg2[%swap3A_69], %reshape3A_68 {strides = array<i32>} : memref<32768xf32, #tpu.memory_space<vmem>>, vector<1024xf32>,
    %slice3A_71 = vector.extract_strided_slice %mul3A_13 {offsets = [8, 896], sizes = [8, 128], strides = [1, 1]} : vector<32x1024xf32> to vector<8x128xf32>
    %reshape3A_72 = vector.shape_cast %slice3A_71 : vector<8x128xf32> to vector<1024xf32>
    %swap3A_73 = arith.constant 15360 : index
    %swap3A_74 = vector.load %arg2[%swap3A_73] : memref<32768xf32, #tpu.memory_space<vmem>>, vector<1024xf32>
    tpu.vector_store %arg2[%swap3A_73], %reshape3A_72 {strides = array<i32>} : memref<32768xf32, #tpu.memory_space<vmem>>, vector<1024xf32>,
    %slice3A_75 = vector.extract_strided_slice %mul3A_13 {offsets = [16, 0], sizes = [8, 128], strides = [1, 1]} : vector<32x1024xf32> to vector<8x128xf32>
    %reshape3A_76 = vector.shape_cast %slice3A_75 : vector<8x128xf32> to vector<1024xf32>
    %swap3A_77 = arith.constant 16384 : index
    %swap3A_78 = vector.load %arg2[%swap3A_77] : memref<32768xf32, #tpu.memory_space<vmem>>, vector<1024xf32>
    tpu.vector_store %arg2[%swap3A_77], %reshape3A_76 {strides = array<i32>} : memref<32768xf32, #tpu.memory_space<vmem>>, vector<1024xf32>,
    %slice3A_79 = vector.extract_strided_slice %mul3A_13 {offsets = [16, 128], sizes = [8, 128], strides = [1, 1]} : vector<32x1024xf32> to vector<8x128xf32>
    %reshape3A_80 = vector.shape_cast %slice3A_79 : vector<8x128xf32> to vector<1024xf32>
    %swap3A_81 = arith.constant 17408 : index
    %swap3A_82 = vector.load %arg2[%swap3A_81] : memref<32768xf32, #tpu.memory_space<vmem>>, vector<1024xf32>
    tpu.vector_store %arg2[%swap3A_81], %reshape3A_80 {strides = array<i32>} : memref<32768xf32, #tpu.memory_space<vmem>>, vector<1024xf32>,
    %slice3A_83 = vector.extract_strided_slice %mul3A_13 {offsets = [16, 256], sizes = [8, 128], strides = [1, 1]} : vector<32x1024xf32> to vector<8x128xf32>
    %reshape3A_84 = vector.shape_cast %slice3A_83 : vector<8x128xf32> to vector<1024xf32>
    %swap3A_85 = arith.constant 18432 : index
    %swap3A_86 = vector.load %arg2[%swap3A_85] : memref<32768xf32, #tpu.memory_space<vmem>>, vector<1024xf32>
    tpu.vector_store %arg2[%swap3A_85], %reshape3A_84 {strides = array<i32>} : memref<32768xf32, #tpu.memory_space<vmem>>, vector<1024xf32>,
    %slice3A_87 = vector.extract_strided_slice %mul3A_13 {offsets = [16, 384], sizes = [8, 128], strides = [1, 1]} : vector<32x1024xf32> to vector<8x128xf32>
    %reshape3A_88 = vector.shape_cast %slice3A_87 : vector<8x128xf32> to vector<1024xf32>
    %swap3A_89 = arith.constant 19456 : index
    %swap3A_90 = vector.load %arg2[%swap3A_89] : memref<32768xf32, #tpu.memory_space<vmem>>, vector<1024xf32>
    tpu.vector_store %arg2[%swap3A_89], %reshape3A_88 {strides = array<i32>} : memref<32768xf32, #tpu.memory_space<vmem>>, vector<1024xf32>,
    %slice3A_91 = vector.extract_strided_slice %mul3A_13 {offsets = [16, 512], sizes = [8, 128], strides = [1, 1]} : vector<32x1024xf32> to vector<8x128xf32>
    %reshape3A_92 = vector.shape_cast %slice3A_91 : vector<8x128xf32> to vector<1024xf32>
    %swap3A_93 = arith.constant 20480 : index
    %swap3A_94 = vector.load %arg2[%swap3A_93] : memref<32768xf32, #tpu.memory_space<vmem>>, vector<1024xf32>
    tpu.vector_store %arg2[%swap3A_93], %reshape3A_92 {strides = array<i32>} : memref<32768xf32, #tpu.memory_space<vmem>>, vector<1024xf32>,
    %slice3A_95 = vector.extract_strided_slice %mul3A_13 {offsets = [16, 640], sizes = [8, 128], strides = [1, 1]} : vector<32x1024xf32> to vector<8x128xf32>
    %reshape3A_96 = vector.shape_cast %slice3A_95 : vector<8x128xf32> to vector<1024xf32>
    %swap3A_97 = arith.constant 21504 : index
    %swap3A_98 = vector.load %arg2[%swap3A_97] : memref<32768xf32, #tpu.memory_space<vmem>>, vector<1024xf32>
    tpu.vector_store %arg2[%swap3A_97], %reshape3A_96 {strides = array<i32>} : memref<32768xf32, #tpu.memory_space<vmem>>, vector<1024xf32>,
    %slice3A_99 = vector.extract_strided_slice %mul3A_13 {offsets = [16, 768], sizes = [8, 128], strides = [1, 1]} : vector<32x1024xf32> to vector<8x128xf32>
    %reshape3A_100 = vector.shape_cast %slice3A_99 : vector<8x128xf32> to vector<1024xf32>
    %swap3A_101 = arith.constant 22528 : index
    %swap3A_102 = vector.load %arg2[%swap3A_101] : memref<32768xf32, #tpu.memory_space<vmem>>, vector<1024xf32>
    tpu.vector_store %arg2[%swap3A_101], %reshape3A_100 {strides = array<i32>} : memref<32768xf32, #tpu.memory_space<vmem>>, vector<1024xf32>,
    %slice3A_103 = vector.extract_strided_slice %mul3A_13 {offsets = [16, 896], sizes = [8, 128], strides = [1, 1]} : vector<32x1024xf32> to vector<8x128xf32>
    %reshape3A_104 = vector.shape_cast %slice3A_103 : vector<8x128xf32> to vector<1024xf32>
    %swap3A_105 = arith.constant 23552 : index
    %swap3A_106 = vector.load %arg2[%swap3A_105] : memref<32768xf32, #tpu.memory_space<vmem>>, vector<1024xf32>
    tpu.vector_store %arg2[%swap3A_105], %reshape3A_104 {strides = array<i32>} : memref<32768xf32, #tpu.memory_space<vmem>>, vector<1024xf32>,
    %slice3A_107 = vector.extract_strided_slice %mul3A_13 {offsets = [24, 0], sizes = [8, 128], strides = [1, 1]} : vector<32x1024xf32> to vector<8x128xf32>
    %reshape3A_108 = vector.shape_cast %slice3A_107 : vector<8x128xf32> to vector<1024xf32>
    %swap3A_109 = arith.constant 24576 : index
    %swap3A_110 = vector.load %arg2[%swap3A_109] : memref<32768xf32, #tpu.memory_space<vmem>>, vector<1024xf32>
    tpu.vector_store %arg2[%swap3A_109], %reshape3A_108 {strides = array<i32>} : memref<32768xf32, #tpu.memory_space<vmem>>, vector<1024xf32>,
    %slice3A_111 = vector.extract_strided_slice %mul3A_13 {offsets = [24, 128], sizes = [8, 128], strides = [1, 1]} : vector<32x1024xf32> to vector<8x128xf32>
    %reshape3A_112 = vector.shape_cast %slice3A_111 : vector<8x128xf32> to vector<1024xf32>
    %swap3A_113 = arith.constant 25600 : index
    %swap3A_114 = vector.load %arg2[%swap3A_113] : memref<32768xf32, #tpu.memory_space<vmem>>, vector<1024xf32>
    tpu.vector_store %arg2[%swap3A_113], %reshape3A_112 {strides = array<i32>} : memref<32768xf32, #tpu.memory_space<vmem>>, vector<1024xf32>,
    %slice3A_115 = vector.extract_strided_slice %mul3A_13 {offsets = [24, 256], sizes = [8, 128], strides = [1, 1]} : vector<32x1024xf32> to vector<8x128xf32>
    %reshape3A_116 = vector.shape_cast %slice3A_115 : vector<8x128xf32> to vector<1024xf32>
    %swap3A_117 = arith.constant 26624 : index
    %swap3A_118 = vector.load %arg2[%swap3A_117] : memref<32768xf32, #tpu.memory_space<vmem>>, vector<1024xf32>
    tpu.vector_store %arg2[%swap3A_117], %reshape3A_116 {strides = array<i32>} : memref<32768xf32, #tpu.memory_space<vmem>>, vector<1024xf32>,
    %slice3A_119 = vector.extract_strided_slice %mul3A_13 {offsets = [24, 384], sizes = [8, 128], strides = [1, 1]} : vector<32x1024xf32> to vector<8x128xf32>
    %reshape3A_120 = vector.shape_cast %slice3A_119 : vector<8x128xf32> to vector<1024xf32>
    %swap3A_121 = arith.constant 27648 : index
    %swap3A_122 = vector.load %arg2[%swap3A_121] : memref<32768xf32, #tpu.memory_space<vmem>>, vector<1024xf32>
    tpu.vector_store %arg2[%swap3A_121], %reshape3A_120 {strides = array<i32>} : memref<32768xf32, #tpu.memory_space<vmem>>, vector<1024xf32>,
    %slice3A_123 = vector.extract_strided_slice %mul3A_13 {offsets = [24, 512], sizes = [8, 128], strides = [1, 1]} : vector<32x1024xf32> to vector<8x128xf32>
    %reshape3A_124 = vector.shape_cast %slice3A_123 : vector<8x128xf32> to vector<1024xf32>
    %swap3A_125 = arith.constant 28672 : index
    %swap3A_126 = vector.load %arg2[%swap3A_125] : memref<32768xf32, #tpu.memory_space<vmem>>, vector<1024xf32>
    tpu.vector_store %arg2[%swap3A_125], %reshape3A_124 {strides = array<i32>} : memref<32768xf32, #tpu.memory_space<vmem>>, vector<1024xf32>,
    %slice3A_127 = vector.extract_strided_slice %mul3A_13 {offsets = [24, 640], sizes = [8, 128], strides = [1, 1]} : vector<32x1024xf32> to vector<8x128xf32>
    %reshape3A_128 = vector.shape_cast %slice3A_127 : vector<8x128xf32> to vector<1024xf32>
    %swap3A_129 = arith.constant 29696 : index
    %swap3A_130 = vector.load %arg2[%swap3A_129] : memref<32768xf32, #tpu.memory_space<vmem>>, vector<1024xf32>
    tpu.vector_store %arg2[%swap3A_129], %reshape3A_128 {strides = array<i32>} : memref<32768xf32, #tpu.memory_space<vmem>>, vector<1024xf32>,
    %slice3A_131 = vector.extract_strided_slice %mul3A_13 {offsets = [24, 768], sizes = [8, 128], strides = [1, 1]} : vector<32x1024xf32> to vector<8x128xf32>
    %reshape3A_132 = vector.shape_cast %slice3A_131 : vector<8x128xf32> to vector<1024xf32>
    %swap3A_133 = arith.constant 30720 : index
    %swap3A_134 = vector.load %arg2[%swap3A_133] : memref<32768xf32, #tpu.memory_space<vmem>>, vector<1024xf32>
    tpu.vector_store %arg2[%swap3A_133], %reshape3A_132 {strides = array<i32>} : memref<32768xf32, #tpu.memory_space<vmem>>, vector<1024xf32>,
    %slice3A_135 = vector.extract_strided_slice %mul3A_13 {offsets = [24, 896], sizes = [8, 128], strides = [1, 1]} : vector<32x1024xf32> to vector<8x128xf32>
    %reshape3A_136 = vector.shape_cast %slice3A_135 : vector<8x128xf32> to vector<1024xf32>
    %swap3A_137 = arith.constant 31744 : index
    %swap3A_138 = vector.load %arg2[%swap3A_137] : memref<32768xf32, #tpu.memory_space<vmem>>, vector<1024xf32>
    tpu.vector_store %arg2[%swap3A_137], %reshape3A_136 {strides = array<i32>} : memref<32768xf32, #tpu.memory_space<vmem>>, vector<1024xf32>,
    %get3A_139 = arith.constant 0 : index
    %get3A_140 = arith.constant 0 : index
    %get3A_141 = vector.load %arg1[%get3A_139, %get3A_140] : memref<64x1000xf32, #tpu.memory_space<vmem>>, vector<64x1000xf32>
    %broadcast_in_dim3A_142 = arith.constant 0.000000e+00 : f32
    %broadcast_in_dim3A_143 = vector.broadcast %broadcast_in_dim3A_142 : f32 to vector<64x24xf32>
    %concatenate3A_144 = tpu.concatenate %get3A_141, %broadcast_in_dim3A_143 in 1 : vector<64x1000xf32>, vector<64x24xf32> -> vector<64x1024xf32>
    %mul3A_145 = arith.mulf %concatenate3A_144, %concatenate3A_144 : vector<64x1024xf32>
    %reduce_sum3A_146 = arith.constant dense<0.000000e+00> : vector<1024xf32>
    %reduce_sum3A_147 = vector.multi_reduction <add>, %mul3A_145, %reduce_sum3A_146 [0] : vector<64x1024xf32> to vector<1024xf32>
    %broadcast_in_dim3A_148 = vector.shape_cast %reduce_sum3A_147 : vector<1024xf32> to vector<1x1024xf32>
    %sqrt3A_149 = math.sqrt %broadcast_in_dim3A_148 : vector<1x1024xf32>
    %gt3A_150 = arith.constant 8.000000e+00 : f32
    %gt3A_151 = vector.broadcast %gt3A_150 : f32 to vector<1x1024xf32>
    %gt3A_152 = arith.cmpf ogt, %sqrt3A_149, %gt3A_151 : vector<1x1024xf32>
    %add3A_153 = arith.constant 1.000000e-07 : f32
    %add3A_154 = vector.broadcast %add3A_153 : f32 to vector<1x1024xf32>
    %add3A_155 = arith.addf %sqrt3A_149, %add3A_154 : vector<1x1024xf32>
    %div3A_156 = arith.constant 8.000000e+00 : f32
    %div3A_157 = vector.broadcast %div3A_156 : f32 to vector<1x1024xf32>
    %div3A_158 = arith.divf %div3A_157, %add3A_155 : vector<1x1024xf32>
    %jit3A_159 = arith.constant 1.000000e+00 : f32
    %broadcast_in_dim3A_160 = vector.broadcast %jit3A_159 : f32 to vector<1x1024xf32>
    %select_n3A_161 = arith.select %gt3A_152, %div3A_158, %broadcast_in_dim3A_160 : vector<1x1024xi1>, vector<1x1024xf32>
    %mul3A_162 = vector.broadcast %select_n3A_161 : vector<1x1024xf32> to vector<64x1024xf32>
    %mul3A_163 = arith.mulf %concatenate3A_144, %mul3A_162 : vector<64x1024xf32>
    %slice3A_164 = vector.extract_strided_slice %mul3A_163 {offsets = [0, 0], sizes = [8, 128], strides = [1, 1]} : vector<64x1024xf32> to vector<8x128xf32>
    %reshape3A_165 = vector.shape_cast %slice3A_164 : vector<8x128xf32> to vector<1024xf32>
    %swap3A_166 = arith.constant 0 : index
    %swap3A_167 = vector.load %arg3[%swap3A_166] : memref<65536xf32, #tpu.memory_space<vmem>>, vector<1024xf32>
    tpu.vector_store %arg3[%swap3A_166], %reshape3A_165 {strides = array<i32>} : memref<65536xf32, #tpu.memory_space<vmem>>, vector<1024xf32>,
    %slice3A_168 = vector.extract_strided_slice %mul3A_163 {offsets = [0, 128], sizes = [8, 128], strides = [1, 1]} : vector<64x1024xf32> to vector<8x128xf32>
    %reshape3A_169 = vector.shape_cast %slice3A_168 : vector<8x128xf32> to vector<1024xf32>
    %swap3A_170 = arith.constant 1024 : index
    %swap3A_171 = vector.load %arg3[%swap3A_170] : memref<65536xf32, #tpu.memory_space<vmem>>, vector<1024xf32>
    tpu.vector_store %arg3[%swap3A_170], %reshape3A_169 {strides = array<i32>} : memref<65536xf32, #tpu.memory_space<vmem>>, vector<1024xf32>,
    %slice3A_172 = vector.extract_strided_slice %mul3A_163 {offsets = [0, 256], sizes = [8, 128], strides = [1, 1]} : vector<64x1024xf32> to vector<8x128xf32>
    %reshape3A_173 = vector.shape_cast %slice3A_172 : vector<8x128xf32> to vector<1024xf32>
    %swap3A_174 = arith.constant 2048 : index
    %swap3A_175 = vector.load %arg3[%swap3A_174] : memref<65536xf32, #tpu.memory_space<vmem>>, vector<1024xf32>
    tpu.vector_store %arg3[%swap3A_174], %reshape3A_173 {strides = array<i32>} : memref<65536xf32, #tpu.memory_space<vmem>>, vector<1024xf32>,
    %slice3A_176 = vector.extract_strided_slice %mul3A_163 {offsets = [0, 384], sizes = [8, 128], strides = [1, 1]} : vector<64x1024xf32> to vector<8x128xf32>
    %reshape3A_177 = vector.shape_cast %slice3A_176 : vector<8x128xf32> to vector<1024xf32>
    %swap3A_178 = arith.constant 3072 : index
    %swap3A_179 = vector.load %arg3[%swap3A_178] : memref<65536xf32, #tpu.memory_space<vmem>>, vector<1024xf32>
    tpu.vector_store %arg3[%swap3A_178], %reshape3A_177 {strides = array<i32>} : memref<65536xf32, #tpu.memory_space<vmem>>, vector<1024xf32>,
    %slice3A_180 = vector.extract_strided_slice %mul3A_163 {offsets = [0, 512], sizes = [8, 128], strides = [1, 1]} : vector<64x1024xf32> to vector<8x128xf32>
    %reshape3A_181 = vector.shape_cast %slice3A_180 : vector<8x128xf32> to vector<1024xf32>
    %swap3A_182 = arith.constant 4096 : index
    %swap3A_183 = vector.load %arg3[%swap3A_182] : memref<65536xf32, #tpu.memory_space<vmem>>, vector<1024xf32>
    tpu.vector_store %arg3[%swap3A_182], %reshape3A_181 {strides = array<i32>} : memref<65536xf32, #tpu.memory_space<vmem>>, vector<1024xf32>,
    %slice3A_184 = vector.extract_strided_slice %mul3A_163 {offsets = [0, 640], sizes = [8, 128], strides = [1, 1]} : vector<64x1024xf32> to vector<8x128xf32>
    %reshape3A_185 = vector.shape_cast %slice3A_184 : vector<8x128xf32> to vector<1024xf32>
    %swap3A_186 = arith.constant 5120 : index
    %swap3A_187 = vector.load %arg3[%swap3A_186] : memref<65536xf32, #tpu.memory_space<vmem>>, vector<1024xf32>
    tpu.vector_store %arg3[%swap3A_186], %reshape3A_185 {strides = array<i32>} : memref<65536xf32, #tpu.memory_space<vmem>>, vector<1024xf32>,
    %slice3A_188 = vector.extract_strided_slice %mul3A_163 {offsets = [0, 768], sizes = [8, 128], strides = [1, 1]} : vector<64x1024xf32> to vector<8x128xf32>
    %reshape3A_189 = vector.shape_cast %slice3A_188 : vector<8x128xf32> to vector<1024xf32>
    %swap3A_190 = arith.constant 6144 : index
    %swap3A_191 = vector.load %arg3[%swap3A_190] : memref<65536xf32, #tpu.memory_space<vmem>>, vector<1024xf32>
    tpu.vector_store %arg3[%swap3A_190], %reshape3A_189 {strides = array<i32>} : memref<65536xf32, #tpu.memory_space<vmem>>, vector<1024xf32>,
    %slice3A_192 = vector.extract_strided_slice %mul3A_163 {offsets = [0, 896], sizes = [8, 128], strides = [1, 1]} : vector<64x1024xf32> to vector<8x128xf32>
    %reshape3A_193 = vector.shape_cast %slice3A_192 : vector<8x128xf32> to vector<1024xf32>
    %swap3A_194 = arith.constant 7168 : index
    %swap3A_195 = vector.load %arg3[%swap3A_194] : memref<65536xf32, #tpu.memory_space<vmem>>, vector<1024xf32>
    tpu.vector_store %arg3[%swap3A_194], %reshape3A_193 {strides = array<i32>} : memref<65536xf32, #tpu.memory_space<vmem>>, vector<1024xf32>,
    %slice3A_196 = vector.extract_strided_slice %mul3A_163 {offsets = [8, 0], sizes = [8, 128], strides = [1, 1]} : vector<64x1024xf32> to vector<8x128xf32>
    %reshape3A_197 = vector.shape_cast %slice3A_196 : vector<8x128xf32> to vector<1024xf32>
    %swap3A_198 = arith.constant 8192 : index
    %swap3A_199 = vector.load %arg3[%swap3A_198] : memref<65536xf32, #tpu.memory_space<vmem>>, vector<1024xf32>
    tpu.vector_store %arg3[%swap3A_198], %reshape3A_197 {strides = array<i32>} : memref<65536xf32, #tpu.memory_space<vmem>>, vector<1024xf32>,
    %slice3A_200 = vector.extract_strided_slice %mul3A_163 {offsets = [8, 128], sizes = [8, 128], strides = [1, 1]} : vector<64x1024xf32> to vector<8x128xf32>
    %reshape3A_201 = vector.shape_cast %slice3A_200 : vector<8x128xf32> to vector<1024xf32>
    %swap3A_202 = arith.constant 9216 : index
    %swap3A_203 = vector.load %arg3[%swap3A_202] : memref<65536xf32, #tpu.memory_space<vmem>>, vector<1024xf32>
    tpu.vector_store %arg3[%swap3A_202], %reshape3A_201 {strides = array<i32>} : memref<65536xf32, #tpu.memory_space<vmem>>, vector<1024xf32>,
    %slice3A_204 = vector.extract_strided_slice %mul3A_163 {offsets = [8, 256], sizes = [8, 128], strides = [1, 1]} : vector<64x1024xf32> to vector<8x128xf32>
    %reshape3A_205 = vector.shape_cast %slice3A_204 : vector<8x128xf32> to vector<1024xf32>
    %swap3A_206 = arith.constant 10240 : index
    %swap3A_207 = vector.load %arg3[%swap3A_206] : memref<65536xf32, #tpu.memory_space<vmem>>, vector<1024xf32>
    tpu.vector_store %arg3[%swap3A_206], %reshape3A_205 {strides = array<i32>} : memref<65536xf32, #tpu.memory_space<vmem>>, vector<1024xf32>,
    %slice3A_208 = vector.extract_strided_slice %mul3A_163 {offsets = [8, 384], sizes = [8, 128], strides = [1, 1]} : vector<64x1024xf32> to vector<8x128xf32>
    %reshape3A_209 = vector.shape_cast %slice3A_208 : vector<8x128xf32> to vector<1024xf32>
    %swap3A_210 = arith.constant 11264 : index
    %swap3A_211 = vector.load %arg3[%swap3A_210] : memref<65536xf32, #tpu.memory_space<vmem>>, vector<1024xf32>
    tpu.vector_store %arg3[%swap3A_210], %reshape3A_209 {strides = array<i32>} : memref<65536xf32, #tpu.memory_space<vmem>>, vector<1024xf32>,
    %slice3A_212 = vector.extract_strided_slice %mul3A_163 {offsets = [8, 512], sizes = [8, 128], strides = [1, 1]} : vector<64x1024xf32> to vector<8x128xf32>
    %reshape3A_213 = vector.shape_cast %slice3A_212 : vector<8x128xf32> to vector<1024xf32>
    %swap3A_214 = arith.constant 12288 : index
    %swap3A_215 = vector.load %arg3[%swap3A_214] : memref<65536xf32, #tpu.memory_space<vmem>>, vector<1024xf32>
    tpu.vector_store %arg3[%swap3A_214], %reshape3A_213 {strides = array<i32>} : memref<65536xf32, #tpu.memory_space<vmem>>, vector<1024xf32>,
    %slice3A_216 = vector.extract_strided_slice %mul3A_163 {offsets = [8, 640], sizes = [8, 128], strides = [1, 1]} : vector<64x1024xf32> to vector<8x128xf32>
    %reshape3A_217 = vector.shape_cast %slice3A_216 : vector<8x128xf32> to vector<1024xf32>
    %swap3A_218 = arith.constant 13312 : index
    %swap3A_219 = vector.load %arg3[%swap3A_218] : memref<65536xf32, #tpu.memory_space<vmem>>, vector<1024xf32>
    tpu.vector_store %arg3[%swap3A_218], %reshape3A_217 {strides = array<i32>} : memref<65536xf32, #tpu.memory_space<vmem>>, vector<1024xf32>,
    %slice3A_220 = vector.extract_strided_slice %mul3A_163 {offsets = [8, 768], sizes = [8, 128], strides = [1, 1]} : vector<64x1024xf32> to vector<8x128xf32>
    %reshape3A_221 = vector.shape_cast %slice3A_220 : vector<8x128xf32> to vector<1024xf32>
    %swap3A_222 = arith.constant 14336 : index
    %swap3A_223 = vector.load %arg3[%swap3A_222] : memref<65536xf32, #tpu.memory_space<vmem>>, vector<1024xf32>
    tpu.vector_store %arg3[%swap3A_222], %reshape3A_221 {strides = array<i32>} : memref<65536xf32, #tpu.memory_space<vmem>>, vector<1024xf32>,
    %slice3A_224 = vector.extract_strided_slice %mul3A_163 {offsets = [8, 896], sizes = [8, 128], strides = [1, 1]} : vector<64x1024xf32> to vector<8x128xf32>
    %reshape3A_225 = vector.shape_cast %slice3A_224 : vector<8x128xf32> to vector<1024xf32>
    %swap3A_226 = arith.constant 15360 : index
    %swap3A_227 = vector.load %arg3[%swap3A_226] : memref<65536xf32, #tpu.memory_space<vmem>>, vector<1024xf32>
    tpu.vector_store %arg3[%swap3A_226], %reshape3A_225 {strides = array<i32>} : memref<65536xf32, #tpu.memory_space<vmem>>, vector<1024xf32>,
    %slice3A_228 = vector.extract_strided_slice %mul3A_163 {offsets = [16, 0], sizes = [8, 128], strides = [1, 1]} : vector<64x1024xf32> to vector<8x128xf32>
    %reshape3A_229 = vector.shape_cast %slice3A_228 : vector<8x128xf32> to vector<1024xf32>
    %swap3A_230 = arith.constant 16384 : index
    %swap3A_231 = vector.load %arg3[%swap3A_230] : memref<65536xf32, #tpu.memory_space<vmem>>, vector<1024xf32>
    tpu.vector_store %arg3[%swap3A_230], %reshape3A_229 {strides = array<i32>} : memref<65536xf32, #tpu.memory_space<vmem>>, vector<1024xf32>,
    %slice3A_232 = vector.extract_strided_slice %mul3A_163 {offsets = [16, 128], sizes = [8, 128], strides = [1, 1]} : vector<64x1024xf32> to vector<8x128xf32>
    %reshape3A_233 = vector.shape_cast %slice3A_232 : vector<8x128xf32> to vector<1024xf32>
    %swap3A_234 = arith.constant 17408 : index
    %swap3A_235 = vector.load %arg3[%swap3A_234] : memref<65536xf32, #tpu.memory_space<vmem>>, vector<1024xf32>
    tpu.vector_store %arg3[%swap3A_234], %reshape3A_233 {strides = array<i32>} : memref<65536xf32, #tpu.memory_space<vmem>>, vector<1024xf32>,
    %slice3A_236 = vector.extract_strided_slice %mul3A_163 {offsets = [16, 256], sizes = [8, 128], strides = [1, 1]} : vector<64x1024xf32> to vector<8x128xf32>
    %reshape3A_237 = vector.shape_cast %slice3A_236 : vector<8x128xf32> to vector<1024xf32>
    %swap3A_238 = arith.constant 18432 : index
    %swap3A_239 = vector.load %arg3[%swap3A_238] : memref<65536xf32, #tpu.memory_space<vmem>>, vector<1024xf32>
    tpu.vector_store %arg3[%swap3A_238], %reshape3A_237 {strides = array<i32>} : memref<65536xf32, #tpu.memory_space<vmem>>, vector<1024xf32>,
    %slice3A_240 = vector.extract_strided_slice %mul3A_163 {offsets = [16, 384], sizes = [8, 128], strides = [1, 1]} : vector<64x1024xf32> to vector<8x128xf32>
    %reshape3A_241 = vector.shape_cast %slice3A_240 : vector<8x128xf32> to vector<1024xf32>
    %swap3A_242 = arith.constant 19456 : index
    %swap3A_243 = vector.load %arg3[%swap3A_242] : memref<65536xf32, #tpu.memory_space<vmem>>, vector<1024xf32>
    tpu.vector_store %arg3[%swap3A_242], %reshape3A_241 {strides = array<i32>} : memref<65536xf32, #tpu.memory_space<vmem>>, vector<1024xf32>,
    %slice3A_244 = vector.extract_strided_slice %mul3A_163 {offsets = [16, 512], sizes = [8, 128], strides = [1, 1]} : vector<64x1024xf32> to vector<8x128xf32>
    %reshape3A_245 = vector.shape_cast %slice3A_244 : vector<8x128xf32> to vector<1024xf32>
    %swap3A_246 = arith.constant 20480 : index
    %swap3A_247 = vector.load %arg3[%swap3A_246] : memref<65536xf32, #tpu.memory_space<vmem>>, vector<1024xf32>
    tpu.vector_store %arg3[%swap3A_246], %reshape3A_245 {strides = array<i32>} : memref<65536xf32, #tpu.memory_space<vmem>>, vector<1024xf32>,
    %slice3A_248 = vector.extract_strided_slice %mul3A_163 {offsets = [16, 640], sizes = [8, 128], strides = [1, 1]} : vector<64x1024xf32> to vector<8x128xf32>
    %reshape3A_249 = vector.shape_cast %slice3A_248 : vector<8x128xf32> to vector<1024xf32>
    %swap3A_250 = arith.constant 21504 : index
    %swap3A_251 = vector.load %arg3[%swap3A_250] : memref<65536xf32, #tpu.memory_space<vmem>>, vector<1024xf32>
    tpu.vector_store %arg3[%swap3A_250], %reshape3A_249 {strides = array<i32>} : memref<65536xf32, #tpu.memory_space<vmem>>, vector<1024xf32>,
    %slice3A_252 = vector.extract_strided_slice %mul3A_163 {offsets = [16, 768], sizes = [8, 128], strides = [1, 1]} : vector<64x1024xf32> to vector<8x128xf32>
    %reshape3A_253 = vector.shape_cast %slice3A_252 : vector<8x128xf32> to vector<1024xf32>
    %swap3A_254 = arith.constant 22528 : index
    %swap3A_255 = vector.load %arg3[%swap3A_254] : memref<65536xf32, #tpu.memory_space<vmem>>, vector<1024xf32>
    tpu.vector_store %arg3[%swap3A_254], %reshape3A_253 {strides = array<i32>} : memref<65536xf32, #tpu.memory_space<vmem>>, vector<1024xf32>,
    %slice3A_256 = vector.extract_strided_slice %mul3A_163 {offsets = [16, 896], sizes = [8, 128], strides = [1, 1]} : vector<64x1024xf32> to vector<8x128xf32>
    %reshape3A_257 = vector.shape_cast %slice3A_256 : vector<8x128xf32> to vector<1024xf32>
    %swap3A_258 = arith.constant 23552 : index
    %swap3A_259 = vector.load %arg3[%swap3A_258] : memref<65536xf32, #tpu.memory_space<vmem>>, vector<1024xf32>
    tpu.vector_store %arg3[%swap3A_258], %reshape3A_257 {strides = array<i32>} : memref<65536xf32, #tpu.memory_space<vmem>>, vector<1024xf32>,
    %slice3A_260 = vector.extract_strided_slice %mul3A_163 {offsets = [24, 0], sizes = [8, 128], strides = [1, 1]} : vector<64x1024xf32> to vector<8x128xf32>
    %reshape3A_261 = vector.shape_cast %slice3A_260 : vector<8x128xf32> to vector<1024xf32>
    %swap3A_262 = arith.constant 24576 : index
    %swap3A_263 = vector.load %arg3[%swap3A_262] : memref<65536xf32, #tpu.memory_space<vmem>>, vector<1024xf32>
    tpu.vector_store %arg3[%swap3A_262], %reshape3A_261 {strides = array<i32>} : memref<65536xf32, #tpu.memory_space<vmem>>, vector<1024xf32>,
    %slice3A_264 = vector.extract_strided_slice %mul3A_163 {offsets = [24, 128], sizes = [8, 128], strides = [1, 1]} : vector<64x1024xf32> to vector<8x128xf32>
    %reshape3A_265 = vector.shape_cast %slice3A_264 : vector<8x128xf32> to vector<1024xf32>
    %swap3A_266 = arith.constant 25600 : index
    %swap3A_267 = vector.load %arg3[%swap3A_266] : memref<65536xf32, #tpu.memory_space<vmem>>, vector<1024xf32>
    tpu.vector_store %arg3[%swap3A_266], %reshape3A_265 {strides = array<i32>} : memref<65536xf32, #tpu.memory_space<vmem>>, vector<1024xf32>,
    %slice3A_268 = vector.extract_strided_slice %mul3A_163 {offsets = [24, 256], sizes = [8, 128], strides = [1, 1]} : vector<64x1024xf32> to vector<8x128xf32>
    %reshape3A_269 = vector.shape_cast %slice3A_268 : vector<8x128xf32> to vector<1024xf32>
    %swap3A_270 = arith.constant 26624 : index
    %swap3A_271 = vector.load %arg3[%swap3A_270] : memref<65536xf32, #tpu.memory_space<vmem>>, vector<1024xf32>
    tpu.vector_store %arg3[%swap3A_270], %reshape3A_269 {strides = array<i32>} : memref<65536xf32, #tpu.memory_space<vmem>>, vector<1024xf32>,
    %slice3A_272 = vector.extract_strided_slice %mul3A_163 {offsets = [24, 384], sizes = [8, 128], strides = [1, 1]} : vector<64x1024xf32> to vector<8x128xf32>
    %reshape3A_273 = vector.shape_cast %slice3A_272 : vector<8x128xf32> to vector<1024xf32>
    %swap3A_274 = arith.constant 27648 : index
    %swap3A_275 = vector.load %arg3[%swap3A_274] : memref<65536xf32, #tpu.memory_space<vmem>>, vector<1024xf32>
    tpu.vector_store %arg3[%swap3A_274], %reshape3A_273 {strides = array<i32>} : memref<65536xf32, #tpu.memory_space<vmem>>, vector<1024xf32>,
    %slice3A_276 = vector.extract_strided_slice %mul3A_163 {offsets = [24, 512], sizes = [8, 128], strides = [1, 1]} : vector<64x1024xf32> to vector<8x128xf32>
    %reshape3A_277 = vector.shape_cast %slice3A_276 : vector<8x128xf32> to vector<1024xf32>
    %swap3A_278 = arith.constant 28672 : index
    %swap3A_279 = vector.load %arg3[%swap3A_278] : memref<65536xf32, #tpu.memory_space<vmem>>, vector<1024xf32>
    tpu.vector_store %arg3[%swap3A_278], %reshape3A_277 {strides = array<i32>} : memref<65536xf32, #tpu.memory_space<vmem>>, vector<1024xf32>,
    %slice3A_280 = vector.extract_strided_slice %mul3A_163 {offsets = [24, 640], sizes = [8, 128], strides = [1, 1]} : vector<64x1024xf32> to vector<8x128xf32>
    %reshape3A_281 = vector.shape_cast %slice3A_280 : vector<8x128xf32> to vector<1024xf32>
    %swap3A_282 = arith.constant 29696 : index
    %swap3A_283 = vector.load %arg3[%swap3A_282] : memref<65536xf32, #tpu.memory_space<vmem>>, vector<1024xf32>
    tpu.vector_store %arg3[%swap3A_282], %reshape3A_281 {strides = array<i32>} : memref<65536xf32, #tpu.memory_space<vmem>>, vector<1024xf32>,
    %slice3A_284 = vector.extract_strided_slice %mul3A_163 {offsets = [24, 768], sizes = [8, 128], strides = [1, 1]} : vector<64x1024xf32> to vector<8x128xf32>
    %reshape3A_285 = vector.shape_cast %slice3A_284 : vector<8x128xf32> to vector<1024xf32>
    %swap3A_286 = arith.constant 30720 : index
    %swap3A_287 = vector.load %arg3[%swap3A_286] : memref<65536xf32, #tpu.memory_space<vmem>>, vector<1024xf32>
    tpu.vector_store %arg3[%swap3A_286], %reshape3A_285 {strides = array<i32>} : memref<65536xf32, #tpu.memory_space<vmem>>, vector<1024xf32>,
    %slice3A_288 = vector.extract_strided_slice %mul3A_163 {offsets = [24, 896], sizes = [8, 128], strides = [1, 1]} : vector<64x1024xf32> to vector<8x128xf32>
    %reshape3A_289 = vector.shape_cast %slice3A_288 : vector<8x128xf32> to vector<1024xf32>
    %swap3A_290 = arith.constant 31744 : index
    %swap3A_291 = vector.load %arg3[%swap3A_290] : memref<65536xf32, #tpu.memory_space<vmem>>, vector<1024xf32>
    tpu.vector_store %arg3[%swap3A_290], %reshape3A_289 {strides = array<i32>} : memref<65536xf32, #tpu.memory_space<vmem>>, vector<1024xf32>,
    %slice3A_292 = vector.extract_strided_slice %mul3A_163 {offsets = [32, 0], sizes = [8, 128], strides = [1, 1]} : vector<64x1024xf32> to vector<8x128xf32>
    %reshape3A_293 = vector.shape_cast %slice3A_292 : vector<8x128xf32> to vector<1024xf32>
    %swap3A_294 = arith.constant 32768 : index
    %swap3A_295 = vector.load %arg3[%swap3A_294] : memref<65536xf32, #tpu.memory_space<vmem>>, vector<1024xf32>
    tpu.vector_store %arg3[%swap3A_294], %reshape3A_293 {strides = array<i32>} : memref<65536xf32, #tpu.memory_space<vmem>>, vector<1024xf32>,
    %slice3A_296 = vector.extract_strided_slice %mul3A_163 {offsets = [32, 128], sizes = [8, 128], strides = [1, 1]} : vector<64x1024xf32> to vector<8x128xf32>
    %reshape3A_297 = vector.shape_cast %slice3A_296 : vector<8x128xf32> to vector<1024xf32>
    %swap3A_298 = arith.constant 33792 : index
    %swap3A_299 = vector.load %arg3[%swap3A_298] : memref<65536xf32, #tpu.memory_space<vmem>>, vector<1024xf32>
    tpu.vector_store %arg3[%swap3A_298], %reshape3A_297 {strides = array<i32>} : memref<65536xf32, #tpu.memory_space<vmem>>, vector<1024xf32>,
    %slice3A_300 = vector.extract_strided_slice %mul3A_163 {offsets = [32, 256], sizes = [8, 128], strides = [1, 1]} : vector<64x1024xf32> to vector<8x128xf32>
    %reshape3A_301 = vector.shape_cast %slice3A_300 : vector<8x128xf32> to vector<1024xf32>
    %swap3A_302 = arith.constant 34816 : index
    %swap3A_303 = vector.load %arg3[%swap3A_302] : memref<65536xf32, #tpu.memory_space<vmem>>, vector<1024xf32>
    tpu.vector_store %arg3[%swap3A_302], %reshape3A_301 {strides = array<i32>} : memref<65536xf32, #tpu.memory_space<vmem>>, vector<1024xf32>,
    %slice3A_304 = vector.extract_strided_slice %mul3A_163 {offsets = [32, 384], sizes = [8, 128], strides = [1, 1]} : vector<64x1024xf32> to vector<8x128xf32>
    %reshape3A_305 = vector.shape_cast %slice3A_304 : vector<8x128xf32> to vector<1024xf32>
    %swap3A_306 = arith.constant 35840 : index
    %swap3A_307 = vector.load %arg3[%swap3A_306] : memref<65536xf32, #tpu.memory_space<vmem>>, vector<1024xf32>
    tpu.vector_store %arg3[%swap3A_306], %reshape3A_305 {strides = array<i32>} : memref<65536xf32, #tpu.memory_space<vmem>>, vector<1024xf32>,
    %slice3A_308 = vector.extract_strided_slice %mul3A_163 {offsets = [32, 512], sizes = [8, 128], strides = [1, 1]} : vector<64x1024xf32> to vector<8x128xf32>
    %reshape3A_309 = vector.shape_cast %slice3A_308 : vector<8x128xf32> to vector<1024xf32>
    %swap3A_310 = arith.constant 36864 : index
    %swap3A_311 = vector.load %arg3[%swap3A_310] : memref<65536xf32, #tpu.memory_space<vmem>>, vector<1024xf32>
    tpu.vector_store %arg3[%swap3A_310], %reshape3A_309 {strides = array<i32>} : memref<65536xf32, #tpu.memory_space<vmem>>, vector<1024xf32>,
    %slice3A_312 = vector.extract_strided_slice %mul3A_163 {offsets = [32, 640], sizes = [8, 128], strides = [1, 1]} : vector<64x1024xf32> to vector<8x128xf32>
    %reshape3A_313 = vector.shape_cast %slice3A_312 : vector<8x128xf32> to vector<1024xf32>
    %swap3A_314 = arith.constant 37888 : index
    %swap3A_315 = vector.load %arg3[%swap3A_314] : memref<65536xf32, #tpu.memory_space<vmem>>, vector<1024xf32>
    tpu.vector_store %arg3[%swap3A_314], %reshape3A_313 {strides = array<i32>} : memref<65536xf32, #tpu.memory_space<vmem>>, vector<1024xf32>,
    %slice3A_316 = vector.extract_strided_slice %mul3A_163 {offsets = [32, 768], sizes = [8, 128], strides = [1, 1]} : vector<64x1024xf32> to vector<8x128xf32>
    %reshape3A_317 = vector.shape_cast %slice3A_316 : vector<8x128xf32> to vector<1024xf32>
    %swap3A_318 = arith.constant 38912 : index
    %swap3A_319 = vector.load %arg3[%swap3A_318] : memref<65536xf32, #tpu.memory_space<vmem>>, vector<1024xf32>
    tpu.vector_store %arg3[%swap3A_318], %reshape3A_317 {strides = array<i32>} : memref<65536xf32, #tpu.memory_space<vmem>>, vector<1024xf32>,
    %slice3A_320 = vector.extract_strided_slice %mul3A_163 {offsets = [32, 896], sizes = [8, 128], strides = [1, 1]} : vector<64x1024xf32> to vector<8x128xf32>
    %reshape3A_321 = vector.shape_cast %slice3A_320 : vector<8x128xf32> to vector<1024xf32>
    %swap3A_322 = arith.constant 39936 : index
    %swap3A_323 = vector.load %arg3[%swap3A_322] : memref<65536xf32, #tpu.memory_space<vmem>>, vector<1024xf32>
    tpu.vector_store %arg3[%swap3A_322], %reshape3A_321 {strides = array<i32>} : memref<65536xf32, #tpu.memory_space<vmem>>, vector<1024xf32>,
    %slice3A_324 = vector.extract_strided_slice %mul3A_163 {offsets = [40, 0], sizes = [8, 128], strides = [1, 1]} : vector<64x1024xf32> to vector<8x128xf32>
    %reshape3A_325 = vector.shape_cast %slice3A_324 : vector<8x128xf32> to vector<1024xf32>
    %swap3A_326 = arith.constant 40960 : index
    %swap3A_327 = vector.load %arg3[%swap3A_326] : memref<65536xf32, #tpu.memory_space<vmem>>, vector<1024xf32>
    tpu.vector_store %arg3[%swap3A_326], %reshape3A_325 {strides = array<i32>} : memref<65536xf32, #tpu.memory_space<vmem>>, vector<1024xf32>,
    %slice3A_328 = vector.extract_strided_slice %mul3A_163 {offsets = [40, 128], sizes = [8, 128], strides = [1, 1]} : vector<64x1024xf32> to vector<8x128xf32>
    %reshape3A_329 = vector.shape_cast %slice3A_328 : vector<8x128xf32> to vector<1024xf32>
    %swap3A_330 = arith.constant 41984 : index
    %swap3A_331 = vector.load %arg3[%swap3A_330] : memref<65536xf32, #tpu.memory_space<vmem>>, vector<1024xf32>
    tpu.vector_store %arg3[%swap3A_330], %reshape3A_329 {strides = array<i32>} : memref<65536xf32, #tpu.memory_space<vmem>>, vector<1024xf32>,
    %slice3A_332 = vector.extract_strided_slice %mul3A_163 {offsets = [40, 256], sizes = [8, 128], strides = [1, 1]} : vector<64x1024xf32> to vector<8x128xf32>
    %reshape3A_333 = vector.shape_cast %slice3A_332 : vector<8x128xf32> to vector<1024xf32>
    %swap3A_334 = arith.constant 43008 : index
    %swap3A_335 = vector.load %arg3[%swap3A_334] : memref<65536xf32, #tpu.memory_space<vmem>>, vector<1024xf32>
    tpu.vector_store %arg3[%swap3A_334], %reshape3A_333 {strides = array<i32>} : memref<65536xf32, #tpu.memory_space<vmem>>, vector<1024xf32>,
    %slice3A_336 = vector.extract_strided_slice %mul3A_163 {offsets = [40, 384], sizes = [8, 128], strides = [1, 1]} : vector<64x1024xf32> to vector<8x128xf32>
    %reshape3A_337 = vector.shape_cast %slice3A_336 : vector<8x128xf32> to vector<1024xf32>
    %swap3A_338 = arith.constant 44032 : index
    %swap3A_339 = vector.load %arg3[%swap3A_338] : memref<65536xf32, #tpu.memory_space<vmem>>, vector<1024xf32>
    tpu.vector_store %arg3[%swap3A_338], %reshape3A_337 {strides = array<i32>} : memref<65536xf32, #tpu.memory_space<vmem>>, vector<1024xf32>,
    %slice3A_340 = vector.extract_strided_slice %mul3A_163 {offsets = [40, 512], sizes = [8, 128], strides = [1, 1]} : vector<64x1024xf32> to vector<8x128xf32>
    %reshape3A_341 = vector.shape_cast %slice3A_340 : vector<8x128xf32> to vector<1024xf32>
    %swap3A_342 = arith.constant 45056 : index
    %swap3A_343 = vector.load %arg3[%swap3A_342] : memref<65536xf32, #tpu.memory_space<vmem>>, vector<1024xf32>
    tpu.vector_store %arg3[%swap3A_342], %reshape3A_341 {strides = array<i32>} : memref<65536xf32, #tpu.memory_space<vmem>>, vector<1024xf32>,
    %slice3A_344 = vector.extract_strided_slice %mul3A_163 {offsets = [40, 640], sizes = [8, 128], strides = [1, 1]} : vector<64x1024xf32> to vector<8x128xf32>
    %reshape3A_345 = vector.shape_cast %slice3A_344 : vector<8x128xf32> to vector<1024xf32>
    %swap3A_346 = arith.constant 46080 : index
    %swap3A_347 = vector.load %arg3[%swap3A_346] : memref<65536xf32, #tpu.memory_space<vmem>>, vector<1024xf32>
    tpu.vector_store %arg3[%swap3A_346], %reshape3A_345 {strides = array<i32>} : memref<65536xf32, #tpu.memory_space<vmem>>, vector<1024xf32>,
    %slice3A_348 = vector.extract_strided_slice %mul3A_163 {offsets = [40, 768], sizes = [8, 128], strides = [1, 1]} : vector<64x1024xf32> to vector<8x128xf32>
    %reshape3A_349 = vector.shape_cast %slice3A_348 : vector<8x128xf32> to vector<1024xf32>
    %swap3A_350 = arith.constant 47104 : index
    %swap3A_351 = vector.load %arg3[%swap3A_350] : memref<65536xf32, #tpu.memory_space<vmem>>, vector<1024xf32>
    tpu.vector_store %arg3[%swap3A_350], %reshape3A_349 {strides = array<i32>} : memref<65536xf32, #tpu.memory_space<vmem>>, vector<1024xf32>,
    %slice3A_352 = vector.extract_strided_slice %mul3A_163 {offsets = [40, 896], sizes = [8, 128], strides = [1, 1]} : vector<64x1024xf32> to vector<8x128xf32>
    %reshape3A_353 = vector.shape_cast %slice3A_352 : vector<8x128xf32> to vector<1024xf32>
    %swap3A_354 = arith.constant 48128 : index
    %swap3A_355 = vector.load %arg3[%swap3A_354] : memref<65536xf32, #tpu.memory_space<vmem>>, vector<1024xf32>
    tpu.vector_store %arg3[%swap3A_354], %reshape3A_353 {strides = array<i32>} : memref<65536xf32, #tpu.memory_space<vmem>>, vector<1024xf32>,
    %slice3A_356 = vector.extract_strided_slice %mul3A_163 {offsets = [48, 0], sizes = [8, 128], strides = [1, 1]} : vector<64x1024xf32> to vector<8x128xf32>
    %reshape3A_357 = vector.shape_cast %slice3A_356 : vector<8x128xf32> to vector<1024xf32>
    %swap3A_358 = arith.constant 49152 : index
    %swap3A_359 = vector.load %arg3[%swap3A_358] : memref<65536xf32, #tpu.memory_space<vmem>>, vector<1024xf32>
    tpu.vector_store %arg3[%swap3A_358], %reshape3A_357 {strides = array<i32>} : memref<65536xf32, #tpu.memory_space<vmem>>, vector<1024xf32>,
    %slice3A_360 = vector.extract_strided_slice %mul3A_163 {offsets = [48, 128], sizes = [8, 128], strides = [1, 1]} : vector<64x1024xf32> to vector<8x128xf32>
    %reshape3A_361 = vector.shape_cast %slice3A_360 : vector<8x128xf32> to vector<1024xf32>
    %swap3A_362 = arith.constant 50176 : index
    %swap3A_363 = vector.load %arg3[%swap3A_362] : memref<65536xf32, #tpu.memory_space<vmem>>, vector<1024xf32>
    tpu.vector_store %arg3[%swap3A_362], %reshape3A_361 {strides = array<i32>} : memref<65536xf32, #tpu.memory_space<vmem>>, vector<1024xf32>,
    %slice3A_364 = vector.extract_strided_slice %mul3A_163 {offsets = [48, 256], sizes = [8, 128], strides = [1, 1]} : vector<64x1024xf32> to vector<8x128xf32>
    %reshape3A_365 = vector.shape_cast %slice3A_364 : vector<8x128xf32> to vector<1024xf32>
    %swap3A_366 = arith.constant 51200 : index
    %swap3A_367 = vector.load %arg3[%swap3A_366] : memref<65536xf32, #tpu.memory_space<vmem>>, vector<1024xf32>
    tpu.vector_store %arg3[%swap3A_366], %reshape3A_365 {strides = array<i32>} : memref<65536xf32, #tpu.memory_space<vmem>>, vector<1024xf32>,
    %slice3A_368 = vector.extract_strided_slice %mul3A_163 {offsets = [48, 384], sizes = [8, 128], strides = [1, 1]} : vector<64x1024xf32> to vector<8x128xf32>
    %reshape3A_369 = vector.shape_cast %slice3A_368 : vector<8x128xf32> to vector<1024xf32>
    %swap3A_370 = arith.constant 52224 : index
    %swap3A_371 = vector.load %arg3[%swap3A_370] : memref<65536xf32, #tpu.memory_space<vmem>>, vector<1024xf32>
    tpu.vector_store %arg3[%swap3A_370], %reshape3A_369 {strides = array<i32>} : memref<65536xf32, #tpu.memory_space<vmem>>, vector<1024xf32>,
    %slice3A_372 = vector.extract_strided_slice %mul3A_163 {offsets = [48, 512], sizes = [8, 128], strides = [1, 1]} : vector<64x1024xf32> to vector<8x128xf32>
    %reshape3A_373 = vector.shape_cast %slice3A_372 : vector<8x128xf32> to vector<1024xf32>
    %swap3A_374 = arith.constant 53248 : index
    %swap3A_375 = vector.load %arg3[%swap3A_374] : memref<65536xf32, #tpu.memory_space<vmem>>, vector<1024xf32>
    tpu.vector_store %arg3[%swap3A_374], %reshape3A_373 {strides = array<i32>} : memref<65536xf32, #tpu.memory_space<vmem>>, vector<1024xf32>,
    %slice3A_376 = vector.extract_strided_slice %mul3A_163 {offsets = [48, 640], sizes = [8, 128], strides = [1, 1]} : vector<64x1024xf32> to vector<8x128xf32>
    %reshape3A_377 = vector.shape_cast %slice3A_376 : vector<8x128xf32> to vector<1024xf32>
    %swap3A_378 = arith.constant 54272 : index
    %swap3A_379 = vector.load %arg3[%swap3A_378] : memref<65536xf32, #tpu.memory_space<vmem>>, vector<1024xf32>
    tpu.vector_store %arg3[%swap3A_378], %reshape3A_377 {strides = array<i32>} : memref<65536xf32, #tpu.memory_space<vmem>>, vector<1024xf32>,
    %slice3A_380 = vector.extract_strided_slice %mul3A_163 {offsets = [48, 768], sizes = [8, 128], strides = [1, 1]} : vector<64x1024xf32> to vector<8x128xf32>
    %reshape3A_381 = vector.shape_cast %slice3A_380 : vector<8x128xf32> to vector<1024xf32>
    %swap3A_382 = arith.constant 55296 : index
    %swap3A_383 = vector.load %arg3[%swap3A_382] : memref<65536xf32, #tpu.memory_space<vmem>>, vector<1024xf32>
    tpu.vector_store %arg3[%swap3A_382], %reshape3A_381 {strides = array<i32>} : memref<65536xf32, #tpu.memory_space<vmem>>, vector<1024xf32>,
    %slice3A_384 = vector.extract_strided_slice %mul3A_163 {offsets = [48, 896], sizes = [8, 128], strides = [1, 1]} : vector<64x1024xf32> to vector<8x128xf32>
    %reshape3A_385 = vector.shape_cast %slice3A_384 : vector<8x128xf32> to vector<1024xf32>
    %swap3A_386 = arith.constant 56320 : index
    %swap3A_387 = vector.load %arg3[%swap3A_386] : memref<65536xf32, #tpu.memory_space<vmem>>, vector<1024xf32>
    tpu.vector_store %arg3[%swap3A_386], %reshape3A_385 {strides = array<i32>} : memref<65536xf32, #tpu.memory_space<vmem>>, vector<1024xf32>,
    %slice3A_388 = vector.extract_strided_slice %mul3A_163 {offsets = [56, 0], sizes = [8, 128], strides = [1, 1]} : vector<64x1024xf32> to vector<8x128xf32>
    %reshape3A_389 = vector.shape_cast %slice3A_388 : vector<8x128xf32> to vector<1024xf32>
    %swap3A_390 = arith.constant 57344 : index
    %swap3A_391 = vector.load %arg3[%swap3A_390] : memref<65536xf32, #tpu.memory_space<vmem>>, vector<1024xf32>
    tpu.vector_store %arg3[%swap3A_390], %reshape3A_389 {strides = array<i32>} : memref<65536xf32, #tpu.memory_space<vmem>>, vector<1024xf32>,
    %slice3A_392 = vector.extract_strided_slice %mul3A_163 {offsets = [56, 128], sizes = [8, 128], strides = [1, 1]} : vector<64x1024xf32> to vector<8x128xf32>
    %reshape3A_393 = vector.shape_cast %slice3A_392 : vector<8x128xf32> to vector<1024xf32>
    %swap3A_394 = arith.constant 58368 : index
    %swap3A_395 = vector.load %arg3[%swap3A_394] : memref<65536xf32, #tpu.memory_space<vmem>>, vector<1024xf32>
    tpu.vector_store %arg3[%swap3A_394], %reshape3A_393 {strides = array<i32>} : memref<65536xf32, #tpu.memory_space<vmem>>, vector<1024xf32>,
    %slice3A_396 = vector.extract_strided_slice %mul3A_163 {offsets = [56, 256], sizes = [8, 128], strides = [1, 1]} : vector<64x1024xf32> to vector<8x128xf32>
    %reshape3A_397 = vector.shape_cast %slice3A_396 : vector<8x128xf32> to vector<1024xf32>
    %swap3A_398 = arith.constant 59392 : index
    %swap3A_399 = vector.load %arg3[%swap3A_398] : memref<65536xf32, #tpu.memory_space<vmem>>, vector<1024xf32>
    tpu.vector_store %arg3[%swap3A_398], %reshape3A_397 {strides = array<i32>} : memref<65536xf32, #tpu.memory_space<vmem>>, vector<1024xf32>,
    %slice3A_400 = vector.extract_strided_slice %mul3A_163 {offsets = [56, 384], sizes = [8, 128], strides = [1, 1]} : vector<64x1024xf32> to vector<8x128xf32>
    %reshape3A_401 = vector.shape_cast %slice3A_400 : vector<8x128xf32> to vector<1024xf32>
    %swap3A_402 = arith.constant 60416 : index
    %swap3A_403 = vector.load %arg3[%swap3A_402] : memref<65536xf32, #tpu.memory_space<vmem>>, vector<1024xf32>
    tpu.vector_store %arg3[%swap3A_402], %reshape3A_401 {strides = array<i32>} : memref<65536xf32, #tpu.memory_space<vmem>>, vector<1024xf32>,
    %slice3A_404 = vector.extract_strided_slice %mul3A_163 {offsets = [56, 512], sizes = [8, 128], strides = [1, 1]} : vector<64x1024xf32> to vector<8x128xf32>
    %reshape3A_405 = vector.shape_cast %slice3A_404 : vector<8x128xf32> to vector<1024xf32>
    %swap3A_406 = arith.constant 61440 : index
    %swap3A_407 = vector.load %arg3[%swap3A_406] : memref<65536xf32, #tpu.memory_space<vmem>>, vector<1024xf32>
    tpu.vector_store %arg3[%swap3A_406], %reshape3A_405 {strides = array<i32>} : memref<65536xf32, #tpu.memory_space<vmem>>, vector<1024xf32>,
    %slice3A_408 = vector.extract_strided_slice %mul3A_163 {offsets = [56, 640], sizes = [8, 128], strides = [1, 1]} : vector<64x1024xf32> to vector<8x128xf32>
    %reshape3A_409 = vector.shape_cast %slice3A_408 : vector<8x128xf32> to vector<1024xf32>
    %swap3A_410 = arith.constant 62464 : index
    %swap3A_411 = vector.load %arg3[%swap3A_410] : memref<65536xf32, #tpu.memory_space<vmem>>, vector<1024xf32>
    tpu.vector_store %arg3[%swap3A_410], %reshape3A_409 {strides = array<i32>} : memref<65536xf32, #tpu.memory_space<vmem>>, vector<1024xf32>,
    %slice3A_412 = vector.extract_strided_slice %mul3A_163 {offsets = [56, 768], sizes = [8, 128], strides = [1, 1]} : vector<64x1024xf32> to vector<8x128xf32>
    %reshape3A_413 = vector.shape_cast %slice3A_412 : vector<8x128xf32> to vector<1024xf32>
    %swap3A_414 = arith.constant 63488 : index
    %swap3A_415 = vector.load %arg3[%swap3A_414] : memref<65536xf32, #tpu.memory_space<vmem>>, vector<1024xf32>
    tpu.vector_store %arg3[%swap3A_414], %reshape3A_413 {strides = array<i32>} : memref<65536xf32, #tpu.memory_space<vmem>>, vector<1024xf32>,
    %slice3A_416 = vector.extract_strided_slice %mul3A_163 {offsets = [56, 896], sizes = [8, 128], strides = [1, 1]} : vector<64x1024xf32> to vector<8x128xf32>
    %reshape3A_417 = vector.shape_cast %slice3A_416 : vector<8x128xf32> to vector<1024xf32>
    %swap3A_418 = arith.constant 64512 : index
    %swap3A_419 = vector.load %arg3[%swap3A_418] : memref<65536xf32, #tpu.memory_space<vmem>>, vector<1024xf32>
    tpu.vector_store %arg3[%swap3A_418], %reshape3A_417 {strides = array<i32>} : memref<65536xf32, #tpu.memory_space<vmem>>, vector<1024xf32>,
    return
  }
}

</mosaic_0001>

<sc_bundles>
// kernel: kernel.4.cloned.1.call-start
scs
__scs_entry_jumppad:
0x0: {  	(pc) =	sbr.rel $0x88, $3  }
0x1: {  	(tag) =	ssettag $0x0;
	lr =	simm.s32 $0x1  }
0x2: {  	[smem:$0x3F9E] =	sst lr;
	_ =	strace $0xD0000000  }
0x3: {  	_ = 	snop  }
0x4: {  	_ = 	snop  }
0x5: {  	_ = 	snop  }
0x6: {  	_ = 	snop  }
0x7: {  	_ = 	snop  }
__scs_overlays_trampoline_lowered:
0x8: {  	[smem:$0x3FAD] =	sst s0  }
0x9: {  	[smem:$0x3FAE] =	sst s1  }
0xa: {  	[smem:$0x3FAF] =	sst s2  }
0xb: {  	[smem:$0x3FB0] =	sst s3  }
0xc: {  	[smem:$0x3FB1] =	sst s4  }
0xd: {  	[smem:$0x3FB2] =	sst s5  }
0xe: {  	[smem:$0x3FB3] =	sst s6  }
0xf: {  	[smem:$0x3FB4] =	sst s7  }
0x10: {  	[smem:$0x3FB5] =	sst s8  }
0x11: {  	[smem:$0x3FB6] =	sst s9;
	s0 =	simm.s32 @!p0 $0x0  }
0x12: {  	s1 =	sld [smem:$0x3F9C];
	s0 =	simm.s32 @p0 $0x1  }
0x13: {  	[smem:$0x3FB7] =	sst s0;
	s0 =	simm.s32 @!p1 $0x0  }
0x14: {  	s2 =	sld [smem:$0x3F9B];
	s0 =	simm.s32 @p1 $0x1  }
0x15: {  	[smem:$0x3FB8] =	sst s0;
	s0 =	simm.s32 @!p2 $0x0  }
0x16: {  	s3 =	sld [smem:$0x3FDB];
	s0 =	simm.s32 @p2 $0x1  }
0x17: {  	s4 =	simm.s32 $0x1BF5;
	[smem:$0x3FBA] =	sst s0  }
0x18: {  	s0 =	sld [smem:$0x3F9D];
	_ =	swait.ge [sflag:s4], $0x0  }
0x19: {  	s7 =	sld [smem:$0x3F9E]  }
0x1a: {  	s8 =	sadd.s32 $0xFFFFE003, lr  }
0x1b: {  	s9 =	sadd.s32 $0xFFFFFEF7, lr;
	s5 =	simm.s32 $0xFFFFFFFF;
	p2 =	slt.u32 s8, $0xFFFFF086  }
0x1c: {  	p1 =	slt.u32 s9, $0xF7A;
	s5 =	simm.s32 @!p2 $0x0  }
0x1d: {  	s5 =	simm.s32 @p1 $0x1;
	p0 =	seq.s32 s7, s2  }
0x1e: {  	s7 =	smul.u32 @!p0 $0xF7A, s2;
	p2 =	seq.s32 @!p0 s5, $0x0  }
0x1f: {  	s9 =	smul.u32 $0xF7A, s1;
	s8 =	simm.s32 @!p0 $0x1BF5;
	p2 =	por !p2, p0  }
0x20: {  	[sflag:s8] =	ssyncset.s32 @!p0 $0xFFFFF086;
	s6 =	sadd.s32 @!p0 s3, s7;
	s7 =	simm.s32 @!p0 $0x108  }
0x21: {  	s3 =	sadd.s32 s3, s9;
	s6 =	sadd.s32 @!p0 $0x88, s6;
	s7 =	simm.s32 @p2 $0x1082  }
0x22: {  	[simem:s7], [sflag:s8] =	dma.local @!p0 [hbm:s6], $0xF7A  }
0x23: {  	s9 =	sor.u32 $0xD0000000, s2;
	s6 =	simm.s32 $0x108;
	_ =	swait.ge @!p0 [sflag:s8], $0x0  }
0x24: {  	s3 =	sadd.s32 $0x88, s3;
	s6 =	simm.s32 @!p1 $0x1082;
	[sflag:s4] =	ssyncset.s32 $0xFFFFF086  }
0x25: {  	[simem:s6], [sflag:s4] =	dma.local [hbm:s3], $0xF7A  }
0x26: {  	[smem:$0x3F9E] =	sst s1;
	(tag) =	ssettag s2;
	_ =	strace s9  }
0x27: {  	s1 =	sld [smem:$0x3FAE]  }
0x28: {  	s2 =	sld [smem:$0x3FAF]  }
0x29: {  	s4 =	sld [smem:$0x3FB1]  }
0x2a: {  	p0 =	seq.s32 s5, $0x0;
	s5 =	sld [smem:$0x3FB2]  }
0x2b: {  	s6 =	sld [smem:$0x3FB3]  }
0x2c: {  	s7 =	sld [smem:$0x3FB4]  }
0x2d: {  	s3 =	simm.s32 $0x108;
	s8 =	sld [smem:$0x3FB5]  }
0x2e: {  	s3 =	simm.s32 @!p0 $0x1082;
	s9 =	sld [smem:$0x3FB6]  }
0x2f: {  	lr =	sadd.s32 s0, s3;
	s0 =	sld [smem:$0x3FAD]  }
0x30: {  	s3 =	sld [smem:$0x3FB0]  }
0x31: {  	[smem:$0x3FB9] =	sst s10  }
0x32: {  	s10 =	sld [smem:$0x3FB7];
	_ =	sdelay $0x3  }
0x33: {  	p0 =	seq.s32 s10, $0x1;
	s10 =	sld [smem:$0x3FB9];
	_ =	sdelay $0x3  }
0x34: {  	[smem:$0x3FB9] =	sst s10  }
0x35: {  	s10 =	sld [smem:$0x3FB8];
	_ =	sdelay $0x3  }
0x36: {  	p1 =	seq.s32 s10, $0x1;
	s10 =	sld [smem:$0x3FB9];
	_ =	sdelay $0x3  }
0x37: {  	[smem:$0x3FB9] =	sst s10  }
0x38: {  	s10 =	sld [smem:$0x3FBA]  }
0x39: {  	_ = 	snop;
	(pc) =	sbr.ind lr, $3  }
0x3a: {  	_ = 	snop  }
0x3b: {  	_ = 	snop  }
0x3c: {  	p2 =	seq.s32 s10, $0x1;
	s10 =	sld [smem:$0x3FB9]  }
0x3d: {  	_ =	shalt  }
0x3e: {  	_ =	shalt  }
0x3f: {  	_ =	shalt  }
0x40: {  	_ =	shalt  }
0x41: {  	_ =	shalt  }
0x42: {  	_ =	shalt  }
0x43: {  	_ =	shalt  }
0x44: {  	_ =	shalt  }
0x45: {  	_ =	shalt  }
0x46: {  	_ =	shalt  }
0x47: {  	_ =	shalt  }
0x48: {  	_ =	shalt  }
0x49: {  	_ =	shalt  }
0x4a: {  	_ =	shalt  }
0x4b: {  	_ =	shalt  }
0x4c: {  	_ =	shalt  }
0x4d: {  	_ =	shalt  }
0x4e: {  	_ =	shalt  }
0x4f: {  	_ =	shalt  }
0x50: {  	_ =	shalt  }
0x51: {  	_ =	shalt  }
0x52: {  	_ =	shalt  }
0x53: {  	_ =	shalt  }
0x54: {  	_ =	shalt  }
0x55: {  	_ =	shalt  }
0x56: {  	_ =	shalt  }
0x57: {  	_ =	shalt  }
0x58: {  	_ =	shalt  }
0x59: {  	_ =	shalt  }
0x5a: {  	_ =	shalt  }
0x5b: {  	_ =	shalt  }
0x5c: {  	_ =	shalt  }
0x5d: {  	_ =	shalt  }
0x5e: {  	_ =	shalt  }
0x5f: {  	_ =	shalt  }
0x60: {  	_ =	shalt  }
0x61: {  	_ =	shalt  }
0x62: {  	_ =	shalt  }
0x63: {  	_ =	shalt  }
0x64: {  	_ =	shalt  }
0x65: {  	_ =	shalt  }
0x66: {  	_ =	shalt  }
0x67: {  	_ =	shalt  }
0x68: {  	_ =	shalt  }
0x69: {  	_ =	shalt  }
0x6a: {  	_ =	shalt  }
0x6b: {  	_ =	shalt  }
0x6c: {  	_ =	shalt  }
0x6d: {  	_ =	shalt  }
0x6e: {  	_ =	shalt  }
0x6f: {  	_ =	shalt  }
0x70: {  	_ =	shalt  }
0x71: {  	_ =	shalt  }
0x72: {  	_ =	shalt  }
0x73: {  	_ =	shalt  }
0x74: {  	_ =	shalt  }
0x75: {  	_ =	shalt  }
0x76: {  	_ =	shalt  }
0x77: {  	_ =	shalt  }
0x78: {  	_ =	shalt  }
0x79: {  	_ =	shalt  }
0x7a: {  	_ =	shalt  }
0x7b: {  	_ =	shalt  }
0x7c: {  	_ =	shalt  }
0x7d: {  	_ =	shalt  }
0x7e: {  	_ =	shalt  }
0x7f: {  	_ =	shalt  }
0x80: {  	_ =	shalt  }
0x81: {  	_ =	shalt  }
0x82: {  	_ =	shalt  }
0x83: {  	_ =	shalt  }
0x84: {  	_ =	shalt  }
0x85: {  	_ =	shalt  }
0x86: {  	_ =	shalt  }
0x87: {  	_ =	shalt  }
.Lfunc_end0:
.L_simem_size_0:
called_computation_lowered:
.L_overlay_start_0:
0x88: {  	s2 =	sld [smem:$0x3FD9]  }
0x89: {  	s3 =	sld [smem:$0x3FFE];
	_ =	sdelay $0x1  }
0x8a: {  	s1 =	srdreg.scid  }
0x8b: {  	s0 =	sand.u32 $0x1, s1  }
0x8c: {  	s14 =	sshll.u32 s0, $0xA;
	s2 =	sadd.s32 s3, s2  }
0x8d: {  	s2 =	sadd.s32 s2, s14  }
0x8e: {  	[smem:$0x3FC5] =	sst s2  }
0x8f: {  	_ = 	snop  }
0x90: {  	s2 =	sld [smem:$0x3FD0];
	_ =	sdelay $0x2  }
0x91: {  	s4 =	simm.s32 $0xA;
	s5 =	simm.s32 $0x10;
	s15 =	sld [smem:$0x3FC9]  }
0x92: {  	[smem:s5], [sflag:s4] =	dma.local [hbm:s2], $0x1  }
0x93: {  	_ =	swait.eq [sflag:s4], $0x1  }
0x94: {  	[sflag:s4] =	ssyncset.done $0x0  }
0x95: {  	s16 =	sld [smem:$0x10];
	[sflag:s4] =	ssyncadd.s32 $0xFFFFFFFF  }
0x96: {  	s17 =	sld [smem:$0x11];
	(tm) =	ssettm $0x1  }
0x97: {  	s18 =	sld [smem:$0x3FFB];
	_ =	sdelay $0x3  }
0x98: {  	_ =	strace s18  }
0x99: {  	s5 =	sld [smem:$0x3FFC];
	_ =	sdelay $0x3  }
0x9a: {  	_ =	strace s5  }
0x9b: {  	s5 =	sld [smem:$0x3FFD];
	_ =	sdelay $0x3  }
0x9c: {  	_ =	strace s5  }
0x9d: {  	_ =	strace $0x8FFFFFFF  }
0x9e: {  	s19 =	sld [smem:$0x3FDB];
	_ =	sdelay $0x1  }
0x9f: {  	s6 =	simm.s32 $_scs_section_size  }
0xa0: {  	s7 =	simm.s32 $_size__tile_overlayer_lowered;
	s8 =	simm.s32 $_tile_overlayer_lowered  }
0xa1: {  	s22 =	simm.s32 $0x1BFF;
	s21 =	sshll.u32 s8, $0x1;
	s5 =	sadd.s32 s6, s19  }
0xa2: {  	s9 =	simm.s32 $0x0;
	s20 =	sshll.u32 s7, $0x1;
	s7 =	sadd.s32 s21, s5  }
0xa3: {  	[timem:s9], [sflag:s22] =	dma.local [hbm:s7], s20  }
0xa4: {  	_ =	swait.ge [sflag:s22], s20  }
0xa5: {  	s6 =	ssub.s32 $0x0, s20;
	[sflag:s22] =	ssyncset.done $0x0  }
0xa6: {  	[sflag:s22] =	ssyncadd.s32 s6;
	_ =	sdelay $0x1  }
0xa7: {  	s23 =	simm.s32 $0x1B8B  }
0xa8: {  	_ =	swait.ge [sflag:s23], $0x1  }
0xa9: {  	[sflag:s23] =	ssyncset.done $0x0  }
0xaa: {  	s25 =	simm.s32 $0x1B8E;
	s24 =	sld [smem:$0x3FFE];
	[sflag:s23] =	ssyncadd.s32 $0xFFFFFFFF  }
0xab: {  	s26 =	simm.s32 $execute0_lowered;
	[smem:$0x3FD2] =	sst s25  }
0xac: {  	s7 =	sshll.u32 s26, $0x1;
	_ =	strace $0x80000046;
	[dreg:$0x1] =	wrdreg $0xFFFFFFFF  }
0xad: {  	s28 =	simm.s32 $_size_execute0_lowered;
	s5 =	sadd.s32 s5, s7;
	[dreg:$0x0] =	wrdreg $0x0  }
0xae: {  	s7 =	sshll.u32 s28, $0x1;
	[dreg:$0x2] =	wrdreg s5  }
0xaf: {  	[dreg:$0x3] =	wrdreg s7  }
0xb0: {  	[dreg:$0x4] =	wrdreg $0xC0  }
0xb1: {  	_ =	task [dreg:s9], $0x5FFFF  }
0xb2: {  	[dreg:$0x1] =	wrdreg $0xFFFFFFFF  }
0xb3: {  	[dreg:$0x0] =	wrdreg $0x60  }
0xb4: {  	[dreg:$0x2] =	wrdreg s15  }
0xb5: {  	[dreg:$0x3] =	wrdreg s24  }
0xb6: {  	[dreg:$0x4] =	wrdreg s16  }
0xb7: {  	[dreg:$0x5] =	wrdreg s17  }
0xb8: {  	[dreg:$0x6] =	wrdreg $0x9  }
0xb9: {  	_ =	task.clear_ibuf [dreg:s9], $0x7FFFF;
	_ =	strace $0x90000046  }
0xba: {  	s29 =	simm.s32 $0x9;
	_ =	strace $0x80000048  }
0xbb: {  	_ =	swait.ge [sflag:s29], $0x1  }
0xbc: {  	[sflag:s29] =	ssyncadd.s32 $0xFFFFFFFF  }
0xbd: {  	_ =	strace $0x90000048  }
0xbe: {  	_ =	sfence  }
0xbf: {  	s30 =	sld [smem:$0x0];
	_ =	sdelay $0x2  }
0xc0: {  	s31 =	sshll.u32 s1, $0xD;
	s1 =	sshrl.u32 s1, $0x2  }
0xc1: {  	s3 =	sand.u32 $0x4000, s31;
	s1 =	sadd.s32 s1, s30  }
0xc2: {  	s0 =	sor.u32 s3, s0;
	s1 =	sshll.u32 s1, $0x11  }
0xc3: {  	s0 =	sor.u32 s1, s0  }
0xc4: {  	s0 =	sadd.s32 $0x8F2B, s0  }
0xc5: {  	[sflag:s0] =	ssyncadd.remote.s32 $0x1  }
0xc6: {  	_ =	sfence.sel $0xFFFF  }
0xc7: {  	[dreg:$0x0] =	wrdreg $0xFFFFFFFF;
	(pc) =	sbr.abs _section_cstart, $3  }
0xc8: {  	[dreg:$0x1] =	wrdreg $0xFFFFFFFF  }
0xc9: {  	_ =	task.clear_ibuf [dreg:s9], $0x2FFFF;
	_ =	strace $0x9FFFFFFF  }
0xca: {  	(tm) =	ssettm $0x7FFFFFFF  }
0xcb: {  	_ =	shalt  }
tec
execute0_lowered:
.L_overlay_start_1:
0x0: {  	(tag) =	ssettag $0x1  }
0x1: {  	s0 =	rddreg [dreg:$0x0]  }
0x2: {  	s1 =	rddreg [dreg:$0x1]  }
0x3: {  	s2 =	rddreg [dreg:$0x2]  }
0x4: {  	s3 =	rddreg [dreg:$0x3]  }
0x5: {  	s13 =	simm.s32 $0x0;
	s9 =	stileid.u32;
	s7 =	srdreg.scid  }
0x6: {  	[smem:$0x7FF] =	sst s13;
	s4 =	sshrl.u32 s9, $0x2;
	s6 =	sshrl.u32 s9, $0x1  }
0x7: {  	s7 =	sand.u32 $0x1, s7;
	s9 =	sshll.u32 s9, $0x1;
	_ =	strace $0x80000047  }
0x8: {  	s5 =	sshll.u32 s4, $0xA;
	s8 =	sshll.u32 s6, $0xA;
	s21 =	sor.u32 s7, s9  }
0x9: {  	s7 =	ssub.s32 $0x2, s7;
	s25 =	sshll.u32 s4, $0xE;
	s28 =	sshll.u32 s6, $0xE  }
0xa: {  	s5 =	sadd.s32 s5, s1;
	s1 =	sadd.s32 s8, s1;
	s9 =	sand.u32 $0x7, s21  }
0xb: {  	s8 =	sand.u32 $0x3, s21;
	s10 =	sshrl.u32 s7, $0x1;
	s30 =	sadd.s32 s3, s28  }
0xc: {  	s11 =	sshll.u32 s9, $0x8;
	s12 =	sshll.u32 s8, $0x9;
	s23 =	sadd.s32 $0x3200, s5  }
0xd: {  	s7 =	ssub.s32 s7, s10;
	s24 =	sadd.s32 $0x1200, s1;
	[dreg:$0xd] =	wrdreg s23  }
0xe: {  	s26 =	sshll.u32 s9, $0xB;
	s22 =	sadd.s32 s0, s11;
	[dreg:$0xe] =	wrdreg s24  }
0xf: {  	s29 =	sshll.u32 s8, $0xC;
	s0 =	sadd.s32 s0, s12;
	[dreg:$0xb] =	wrdreg s22  }
0x10: {  	s31 =	smax.u32 s7, $0x1;
	[dreg:$0xc] =	wrdreg s0;
	s0 =	sadd.s32 s2, s25  }
0x11: {  	s1 =	simm.s32 $0x0;
	[dreg:$0x11] =	wrdreg s31;
	s0 =	sadd.s32 s26, s0  }
0x12: {  	s11 =	simm.s32 $0x1800;
	[dreg:$0xf] =	wrdreg s0;
	s0 =	sadd.s32 s29, s30  }
0x13: {  	s12 =	simm.s32 $0x3800;
	s2 =	simm.s32 $0x1;
	[dreg:$0x10] =	wrdreg s0  }
.LBB2_1:
0x14: {  	[dreg:$0x12] =	wrdreg s1  }
0x15: {  	s0 =	rddreg [dreg:$0xb]  }
0x16: {  	[tilespmem:s13], [sflag:$0x1] =	stream.linear.gather [hbm4b:s0+s13], $0x800, $0x38;
	[tilespmem:$0x11800] =	vst v63  }
0x17: {  	s24 =	rddreg [dreg:$0xc];
	s25 =	simm.s32 $0x800  }
0x18: {  	[tilespmem:s25], [sflag:$0x1] =	stream.linear.gather [hbm4b:s24+s13], $0x1000, $0x38;
	[tilespmem:$0x11800] =	vst v63  }
0x19: {  	s26 =	rddreg [dreg:$0xd]  }
0x1a: {  	[tilespmem:s11], [sflag:$0x1] =	stream.linear.gather [hbm4b:s26+s13], $0x2000, $0x38;
	[tilespmem:$0x11800] =	vst v63  }
0x1b: {  	s1 =	rddreg [dreg:$0xe]  }
0x1c: {  	[tilespmem:s12], [sflag:$0x1] =	stream.linear.gather [hbm4b:s1+s13], $0x2000, $0x38;
	[tilespmem:$0x11800] =	vst v63  }
0x1d: {  	_ =	swait.ge [sflag:s2], $0x800  }
0x1e: {  	[sflag:s2] =	ssyncset.done $0x0  }
0x1f: {  	[sflag:s2] =	ssyncadd.s32 $0xFFFFF800  }
0x20: {  	_ =	swait.ge [sflag:s2], $0x1000  }
0x21: {  	[sflag:s2] =	ssyncset.done $0x0  }
0x22: {  	[sflag:s2] =	ssyncadd.s32 $0xFFFFF000  }
0x23: {  	_ =	swait.ge [sflag:s2], $0x2000  }
0x24: {  	[sflag:s2] =	ssyncset.done $0x0  }
0x25: {  	[sflag:s2] =	ssyncadd.s32 $0xFFFFE000  }
0x26: {  	_ =	swait.ge [sflag:s2], $0x2000  }
0x27: {  	[sflag:s2] =	ssyncset.done $0x0  }
0x28: {  	s3 =	simm.s32 $0x20;
	[sflag:s2] =	ssyncadd.s32 $0xFFFFE000  }
0x29: {  	v0 =	vld [tilespmem:s3+$0x10];
	_ =	sdelay $0x3  }
0x2a: {  	v1 =	vld [tilespmem:s3+$0xFFFFFFE0]  }
0x2b: {  	v2 =	vld [tilespmem:s3+$0xFFFFFFF0];
	v3 =	vshll.u32 v0, $0x3  }
0x2c: {  	v0 =	vand.u32 $0x7F, v0;
	v3 =	vand.u32 $0xFFFFFC00, v3  }
0x2d: {  	v3 =	vor.u32 v0, v3;
	v0 =	vld [tilespmem:s3+$0x0];
	_ =	sdelay $0x1  }
0x2e: {  	v4 =	vshll.u32 v1, $0x3  }
0x2f: {  	v5 =	vshll.u32 v2, $0x3;
	v1 =	vand.u32 $0x7F, v1;
	v4 =	vand.u32 $0xFFFFFC00, v4  }
0x30: {  	v6 =	vand.u32 $0x7F, v2;
	v5 =	vand.u32 $0xFFFFFC00, v5;
	v2 =	vor.u32 v1, v4  }
0x31: {  	v1 =	vor.u32 v6, v5;
	v5 =	vld.idx.msk [tilespmem:v3+s11+$0x0], $0xffff;
	v4 =	vshll.u32 v0, $0x3  }
0x32: {  	v6 =	vor.u32 $0x80, v3;
	v0 =	vand.u32 $0x7F, v0;
	v4 =	vand.u32 $0xFFFFFC00, v4  }
0x33: {  	s4 =	simm.s32 $0x30;
	s5 =	sand.u32 $0x3C00, s13;
	v4 =	vor.u32 v0, v4  }
0x34: {  	s0 =	sand.u32 $0x70, s4;
	s1 =	sadd.s32 $0x5800, s5  }
0x35: {  	s4 =	sor.u32 s0, s1;
	v0 =	vld.idx.msk [tilespmem:v2+s11+$0x0], $0xffff  }
0x36: {  	v7 =	vor.u32 $0x80, v2;
	v8 =	vld.idx.msk [tilespmem:v1+s11+$0x0], $0xffff;
	[tilespmem:s4+$0x0] =	vst v5  }
0x37: {  	s6 =	simm.s32 $0x0;
	v5 =	vor.u32 $0x80, v1;
	v6 =	vld.idx.msk [tilespmem:v6+s11+$0x0], $0xffff  }
0x38: {  	s7 =	simm.s32 $0x10;
	s0 =	sand.u32 $0x40, s6;
	v9 =	vor.u32 $0x100, v3;
	v10 =	vld.idx.msk [tilespmem:v4+s11+$0x0], $0xffff  }
0x39: {  	s2 =	sand.u32 $0x50, s7;
	s3 =	sor.u32 s0, s1;
	v11 =	vor.u32 $0x80, v4  }
0x3a: {  	s8 =	simm.s32 $0x20;
	s2 =	sor.u32 s2, s1;
	[tilespmem:s3+$0x0] =	vst v0  }
0x3b: {  	s0 =	sand.u32 $0x60, s8;
	[tilespmem:s2+$0x0] =	vst v8;
	v0 =	vld.idx.msk [tilespmem:v7+s11+$0x0], $0xffff  }
0x3c: {  	s0 =	sor.u32 s0, s1;
	v7 =	vor.u32 $0x100, v2;
	v5 =	vld.idx.msk [tilespmem:v5+s11+$0x0], $0xffff;
	[tilespmem:s4+$0x80] =	vst v6  }
0x3d: {  	v6 =	vor.u32 $0x100, v1;
	v8 =	vld.idx.msk [tilespmem:v9+s11+$0x0], $0xffff;
	[tilespmem:s0+$0x0] =	vst v10  }
0x3e: {  	v10 =	vld.idx.msk [tilespmem:v11+s11+$0x0], $0xffff  }
0x3f: {  	s9 =	simm.s32 $0x60;
	v9 =	vor.u32 $0x180, v3  }
0x40: {  	v13 =	vld [tilespmem:s9+$0xFFFFFFF0];
	[tilespmem:s3+$0x80] =	vst v0  }
0x41: {  	v11 =	vor.u32 $0x100, v4;
	v0 =	vld.idx.msk [tilespmem:v7+s11+$0x0], $0xffff;
	[tilespmem:s2+$0x80] =	vst v5  }
0x42: {  	v5 =	vld.idx.msk [tilespmem:v6+s11+$0x0], $0xffff;
	[tilespmem:s4+$0x100] =	vst v8  }
0x43: {  	v8 =	vld [tilespmem:s9+$0x10];
	[tilespmem:s0+$0x80] =	vst v10;
	v10 =	vor.u32 $0x180, v2  }
0x44: {  	v12 =	vor.u32 $0x180, v1;
	v6 =	vld.idx.msk [tilespmem:v9+s11+$0x0], $0xffff  }
0x45: {  	v15 =	vld [tilespmem:s9+$0x0];
	v7 =	vor.u32 $0x200, v3  }
0x46: {  	v9 =	vld.idx.msk [tilespmem:v11+s11+$0x0], $0xffff  }
0x47: {  	v11 =	vld [tilespmem:s9+$0xFFFFFFE0];
	[tilespmem:s3+$0x100] =	vst v0  }
0x48: {  	[tilespmem:s2+$0x100] =	vst v5;
	v14 =	vshll.u32 v8, $0x3;
	v5 =	vld.idx.msk [tilespmem:v10+s11+$0x0], $0xffff  }
0x49: {  	v8 =	vand.u32 $0x7F, v8;
	[tilespmem:s4+$0x180] =	vst v6;
	v6 =	vor.u32 $0x180, v4;
	v0 =	vand.u32 $0xFFFFFC00, v14;
	v10 =	vld.idx.msk [tilespmem:v12+s11+$0x0], $0xffff  }
0x4a: {  	s10 =	sand.u32 $0x7, s13;
	v7 =	vld.idx.msk [tilespmem:v7+s11+$0x0], $0xffff;
	v0 =	vor.u32 v8, v0  }
0x4b: {  	v18 =	vshll.u32 v15, $0x3;
	s1 =	sshll.u32 s10, $0x4;
	v8 =	vor.u32 $0x200, v1  }
0x4c: {  	v16 =	vor.u32 $0x280, v3;
	v17 =	vor.u32 $0x200, v2;
	s14 =	sadd.s32 $0x0, s1;
	v12 =	vshll.u32 v11, $0x3;
	[tilespmem:s0+$0x100] =	vst v9  }
0x4d: {  	s1 =	sadd.s32 $0x30, s14;
	v14 =	vshll.u32 v13, $0x3;
	v11 =	vand.u32 $0x7F, v11;
	v9 =	vand.u32 $0xFFFFFC00, v12;
	[tilespmem:s3+$0x180] =	vst v5  }
0x4e: {  	s5 =	sor.u32 $0x200, s1;
	v13 =	vand.u32 $0x7F, v13;
	v12 =	vand.u32 $0xFFFFFC00, v14;
	v14 =	vor.u32 v11, v9;
	v6 =	vld.idx.msk [tilespmem:v6+s11+$0x0], $0xffff;
	[tilespmem:s2+$0x180] =	vst v10  }
0x4f: {  	v13 =	vor.u32 v13, v12;
	v9 =	vand.u32 $0x7F, v15;
	[tilespmem:s5+$0x5800] =	vst v7;
	v7 =	vand.u32 $0xFFFFFC00, v18;
	v5 =	vld.idx.msk [tilespmem:v0+s11+$0x0], $0xffff  }
0x50: {  	v8 =	vld.idx.msk [tilespmem:v8+s11+$0x0], $0xffff;
	v19 =	vor.u32 v9, v7  }
0x51: {  	p0 =	por $0x0, $0x0;
	s17 =	simm.s32 $0x200;
	v10 =	vor.u32 $0x80, v0;
	v11 =	vld.idx.msk [tilespmem:v16+s11+$0x0], $0xffff  }
0x52: {  	s18 =	simm.s32 $0x70;
	s16 =	sand.u32 $0x3C00, s17;
	s3 =	simm.s32 $0x1;
	v7 =	vld.idx.msk [tilespmem:v17+s11+$0x0], $0xffff;
	v9 =	vor.u32 $0x300, v3  }
0x53: {  	s20 =	sand.u32 $0x70, s18;
	s19 =	sadd.s32 $0x5800, s16;
	v12 =	vor.u32 $0x200, v4;
	s3 =	simm.s32 @!p0 $0x0;
	v15 =	vld.idx.msk [tilespmem:v14+s11+$0x0], $0xffff  }
0x54: {  	s15 =	sshll.u32 s3, $0x6;
	v16 =	vor.u32 $0x280, v2;
	s3 =	sor.u32 s20, s19;
	[tilespmem:s0+$0x180] =	vst v6;
	v6 =	vld.idx.msk [tilespmem:v13+s11+$0x0], $0xffff  }
0x55: {  	s22 =	sadd.s32 $0x10, s14;
	s6 =	sor.u32 $0x280, s1;
	v17 =	vor.u32 $0x80, v14;
	[tilespmem:s3+$0x0] =	vst v5;
	v18 =	vld.idx.msk [tilespmem:v19+s11+$0x0], $0xffff  }
0x56: {  	s25 =	simm.s32 $0x40;
	s26 =	sor.u32 $0x200, s22;
	s7 =	sadd.s32 $0x0, s15;
	[tilespmem:s6+$0x5800] =	vst v11;
	v11 =	vor.u32 $0x80, v13;
	v10 =	vld.idx.msk [tilespmem:v10+s11+$0x0], $0xffff  }
0x57: {  	s8 =	simm.s32 $0x50;
	s4 =	sand.u32 $0x40, s25;
	s21 =	sor.u32 $0x200, s7;
	[tilespmem:s26+$0x5800] =	vst v8;
	v5 =	vld.idx.msk [tilespmem:v9+s11+$0x0], $0xffff;
	v9 =	vor.u32 $0x80, v19  }
0x58: {  	s8 =	sand.u32 $0x50, s8;
	s9 =	simm.s32 $0x60;
	s0 =	sor.u32 s4, s19;
	v8 =	vor.u32 $0x100, v0;
	[tilespmem:s21+$0x5800] =	vst v7;
	v7 =	vld.idx.msk [tilespmem:v12+s11+$0x0], $0xffff  }
0x59: {  	s10 =	sand.u32 $0x3, s13;
	s29 =	sor.u32 s8, s19;
	s13 =	sand.u32 $0x60, s9;
	[tilespmem:s0+$0x0] =	vst v15;
	v12 =	vld.idx.msk [tilespmem:v16+s11+$0x0], $0xffff;
	v15 =	vor.u32 $0x280, v1  }
0x5a: {  	s30 =	sor.u32 s13, s19;
	v3 =	vor.u32 $0x380, v3;
	s4 =	sshll.u32 s10, $0x5;
	v16 =	vld.idx.msk [tilespmem:v17+s11+$0x0], $0xffff;
	[tilespmem:s29+$0x0] =	vst v6  }
0x5b: {  	s4 =	sadd.s32 $0x0, s4;
	v6 =	vor.u32 $0x280, v4;
	v11 =	vld.idx.msk [tilespmem:v11+s11+$0x0], $0xffff;
	[tilespmem:s30+$0x0] =	vst v18  }
0x5c: {  	s14 =	sor.u32 $0x300, s1;
	s15 =	sadd.s32 $0x20, s4;
	v17 =	vor.u32 $0x100, v14;
	[tilespmem:s3+$0x80] =	vst v10;
	v9 =	vld.idx.msk [tilespmem:v9+s11+$0x0], $0xffff  }
0x5d: {  	s23 =	simm.s32 $0x4;
	s16 =	sor.u32 $0x200, s15;
	[tilespmem:s14+$0x5800] =	vst v5;
	v5 =	vor.u32 $0x100, v13;
	v8 =	vld.idx.msk [tilespmem:v8+s11+$0x0], $0xffff  }
0x5e: {  	p0 =	por !p0, !p0;
	s5 =	simm.s32 $0x1;
	v20 =	vor.u32 $0x100, v19;
	s19 =	sor.u32 $0x280, s7;
	[tilespmem:s16+$0x5800] =	vst v7;
	v15 =	vld.idx.msk [tilespmem:v15+s11+$0x0], $0xffff  }
0x5f: {  	v22 =	vor.u32 $0x300, v2;
	s1 =	sor.u32 $0x380, s1;
	s20 =	sor.u32 $0x280, s22;
	s5 =	simm.s32 @!p0 $0x0;
	[tilespmem:s19+$0x5800] =	vst v12;
	v10 =	vld.idx.msk [tilespmem:v3+s11+$0x0], $0xffff  }
0x60: {  	v24 =	vor.u32 $0x180, v0;
	s5 =	sshll.u32 s5, $0x6;
	s13 =	sor.u32 $0x300, s7;
	s26 =	simm.s32 $0x2;
	[tilespmem:s0+$0x80] =	vst v16;
	v25 =	vld.idx.msk [tilespmem:v6+s11+$0x0], $0xffff  }
0x61: {  	v26 =	vor.u32 $0x300, v1;
	v27 =	vor.u32 $0x300, v4;
	s5 =	sadd.s32 $0x200, s5;
	s10 =	sor.u32 $0x380, s7;
	s21 =	sand.u32 $0x3, s26;
	v1 =	vor.u32 $0x380, v1;
	v28 =	vld.idx.msk [tilespmem:v17+s11+$0x0], $0xffff;
	[tilespmem:s29+$0x80] =	vst v11  }
0x62: {  	s28 =	sor.u32 $0x280, s5;
	s4 =	sor.u32 $0x280, s15;
	s7 =	sshll.u32 s21, $0x5;
	v18 =	vor.u32 $0x180, v13;
	v7 =	vor.u32 $0x280, v14;
	v12 =	vor.u32 $0x200, v14;
	v21 =	vld.idx.msk [tilespmem:v5+s11+$0x0], $0xffff;
	[tilespmem:s30+$0x80] =	vst v9  }
0x63: {  	s6 =	sor.u32 $0x300, s15;
	s24 =	sor.u32 $0x380, s15;
	s7 =	sadd.s32 $0x200, s7;
	v3 =	vor.u32 $0x380, v2;
	v2 =	vor.u32 $0x380, v4;
	v16 =	vor.u32 $0x180, v14;
	[tilespmem:s3+$0x100] =	vst v8;
	v23 =	vld.idx.msk [tilespmem:v20+s11+$0x0], $0xffff  }
0x64: {  	s15 =	sor.u32 $0x380, s22;
	s14 =	sor.u32 $0x300, s22;
	s22 =	sadd.s32 $0x20, s7;
	v4 =	vor.u32 $0x300, v14;
	v17 =	vor.u32 $0x180, v19;
	v6 =	vor.u32 $0x300, v13;
	[tilespmem:s20+$0x5800] =	vst v15;
	v20 =	vld.idx.msk [tilespmem:v22+s11+$0x0], $0xffff  }
0x65: {  	s9 =	sor.u32 $0x300, s5;
	s21 =	sor.u32 $0x380, s5;
	s31 =	sor.u32 $0x200, s22;
	v11 =	vor.u32 $0x200, v13;
	v9 =	vor.u32 $0x280, v13;
	v8 =	vor.u32 $0x280, v19;
	[tilespmem:s1+$0x5800] =	vst v10;
	v24 =	vld.idx.msk [tilespmem:v24+s11+$0x0], $0xffff  }
0x66: {  	s25 =	sor.u32 $0x280, s22;
	s7 =	sor.u32 $0x300, s22;
	s22 =	sor.u32 $0x380, s22;
	v5 =	vor.u32 $0x300, v19;
	v15 =	vor.u32 $0x380, v14;
	v14 =	vor.u32 $0x380, v13;
	v22 =	vld.idx.msk [tilespmem:v26+s11+$0x0], $0xffff;
	[tilespmem:s4+$0x5800] =	vst v25  }
0x67: {  	v13 =	vor.u32 $0x380, v19;
	v10 =	vor.u32 $0x200, v19;
	s1 =	sor.u32 $0x200, s5;
	s5 =	simm.s32 $0xA0;
	[tilespmem:s0+$0x100] =	vst v28;
	v25 =	vor.u32 $0x200, v0;
	s4 =	simm.s32 $0x0;
	v19 =	vld.idx.msk [tilespmem:v27+s11+$0x0], $0xffff  }
.LBB2_2:
0x68: {  	v26 =	vld [tilespmem:s5+$0x10];
	[tilespmem:s29+$0x100] =	vst v21  }
0x69: {  	v21 =	vld [tilespmem:s5+$0xFFFFFFE0];
	[tilespmem:s30+$0x100] =	vst v23  }
0x6a: {  	v23 =	vld [tilespmem:s5+$0xFFFFFFF0];
	[tilespmem:s13+$0x5800] =	vst v20  }
0x6b: {  	v20 =	vld [tilespmem:s5+$0x0];
	[tilespmem:s3+$0x180] =	vst v24  }
0x6c: {  	v24 =	vld.idx.msk [tilespmem:v25+s11+$0x0], $0xffff  }
0x6d: {  	s4 =	sadd.s32 $0x4, s4;
	[tilespmem:s14+$0x5800] =	vst v22;
	v22 =	vshll.u32 v26, $0x3;
	v16 =	vld.idx.msk [tilespmem:v16+s11+$0x0], $0xffff  }
0x6e: {  	s2 =	smov.u32 s9;
	s13 =	sand.u32 $0x7, s4;
	[tilespmem:s6+$0x5800] =	vst v19;
	v18 =	vld.idx.msk [tilespmem:v18+s11+$0x0], $0xffff;
	v25 =	vor.u32 $0x280, v0;
	v19 =	vand.u32 $0xFFFFFC00, v22;
	v22 =	vand.u32 $0x7F, v26  }
0x6f: {  	[dreg:$0x5] =	wrdreg s2;
	s2 =	sshll.u32 s13, $0x4;
	v17 =	vld.idx.msk [tilespmem:v17+s11+$0x0], $0xffff;
	v19 =	vor.u32 v22, v19;
	v26 =	vshll.u32 v21, $0x3;
	v27 =	vshll.u32 v23, $0x3  }
0x70: {  	v28 =	vld.idx.msk [tilespmem:v3+s11+$0x0], $0xffff;
	s2 =	sadd.s32 s2, s17;
	v22 =	vand.u32 $0xFFFFFC00, v26;
	v26 =	vand.u32 $0xFFFFFC00, v27;
	v27 =	vshll.u32 v20, $0x3  }
0x71: {  	v3 =	vmovc v15;
	s8 =	sadd.s32 $0x30, s2;
	v15 =	vand.u32 $0x7F, v21;
	v21 =	vand.u32 $0x7F, v23;
	v23 =	vand.u32 $0xFFFFFC00, v27;
	v27 =	vld.idx.msk [tilespmem:v1+s11+$0x0], $0xffff  }
0x72: {  	s20 =	sor.u32 $0x200, s8;
	[tilespmem:s0+$0x180] =	vst v16;
	v1 =	vmov v14;
	v14 =	vor.u32 v15, v22;
	v15 =	vand.u32 $0x7F, v20;
	v20 =	vld.idx.msk [tilespmem:v2+s11+$0x0], $0xffff  }
0x73: {  	p0 =	por !p0, !p0;
	[tilespmem:s20+$0x5800] =	vst v24;
	v21 =	vor.u32 v21, v26;
	v32 =	vld.idx.msk [tilespmem:v12+s11+$0x0], $0xffff  }
0x74: {  	s26 =	sadd.s32 $0x2, s26;
	s18 =	sadd.s32 $0x40, s18;
	s14 =	smov.u32 s7;
	[tilespmem:s29+$0x180] =	vst v18;
	v23 =	vor.u32 v15, v23;
	v15 =	vld.idx.msk [tilespmem:v25+s11+$0x0], $0xffff  }
0x75: {  	v33 =	vor.u32 $0x300, v0;
	[dreg:$0x7] =	wrdreg s14;
	s17 =	sadd.s32 $0x200, s17;
	s16 =	sadd.s32 $0x10, s2;
	v34 =	vor.u32 $0x80, v19;
	[tilespmem:s30+$0x180] =	vst v17;
	v30 =	vld.idx.msk [tilespmem:v19+s11+$0x0], $0xffff  }
0x76: {  	s7 =	sor.u32 $0x200, s16;
	s19 =	sor.u32 $0x280, s16;
	s14 =	sor.u32 $0x300, s16;
	[tilespmem:s10+$0x5800] =	vst v28;
	v22 =	vor.u32 $0x80, v14;
	v24 =	vor.u32 $0x80, v21;
	v25 =	vor.u32 $0x100, v14;
	v35 =	vld.idx.msk [tilespmem:v11+s11+$0x0], $0xffff  }
0x77: {  	s2 =	sor.u32 $0x380, s16;
	s16 =	sand.u32 $0x3C00, s17;
	[dreg:$0x9] =	wrdreg s19;
	v26 =	vor.u32 $0x100, v21;
	v16 =	vor.u32 $0x180, v14;
	v18 =	vor.u32 $0x180, v21;
	v28 =	vld.idx.msk [tilespmem:v14+s11+$0x0], $0xffff;
	[tilespmem:s15+$0x5800] =	vst v27  }
0x78: {  	s19 =	sand.u32 $0x70, s18;
	s29 =	sor.u32 $0x280, s8;
	v12 =	vor.u32 $0x200, v14;
	v11 =	vor.u32 $0x200, v21;
	v38 =	vor.u32 $0x280, v21;
	s15 =	sadd.s32 $0x5800, s16;
	[tilespmem:s24+$0x5800] =	vst v20;
	v37 =	vld.idx.msk [tilespmem:v21+s11+$0x0], $0xffff  }
0x79: {  	s0 =	simm.s32 $0x1;
	s20 =	sadd.s32 $0xFFFFFFD0, s18;
	v40 =	vor.u32 $0x300, v14;
	v41 =	vor.u32 $0x300, v21;
	v29 =	vor.u32 $0x80, v23;
	v20 =	vld.idx.msk [tilespmem:v23+s11+$0x0], $0xffff;
	s3 =	sor.u32 s19, s15;
	[tilespmem:s29+$0x5800] =	vst v15  }
0x7a: {  	s6 =	sand.u32 $0x3, s26;
	s0 =	simm.s32 @!p0 $0x0;
	v31 =	vor.u32 $0x100, v23;
	v17 =	vor.u32 $0x180, v23;
	v36 =	vor.u32 $0x200, v23;
	s24 =	sand.u32 $0x40, s20;
	v60 =	vld.idx.msk [tilespmem:v10+s11+$0x0], $0xffff;
	[tilespmem:s3+$0x0] =	vst v30  }
0x7b: {  	s30 =	sadd.s32 $0xFFFFFFE0, s18;
	s9 =	sshll.u32 s0, $0x6;
	v27 =	vor.u32 $0x280, v14;
	[tilespmem:s1+$0x5800] =	vst v32;
	v15 =	vor.u32 $0x380, v14;
	v14 =	vor.u32 $0x380, v21;
	s0 =	sor.u32 s24, s15;
	v21 =	vld.idx.msk [tilespmem:v33+s11+$0x0], $0xffff  }
0x7c: {  	s13 =	sshll.u32 s6, $0x5;
	v2 =	vmovc v13;
	s6 =	sand.u32 $0x50, s30;
	s30 =	sadd.s32 $0xFFFFFFF0, s18;
	v39 =	vor.u32 $0x280, v23;
	v42 =	vor.u32 $0x300, v23;
	v13 =	vor.u32 $0x380, v23;
	v23 =	vld.idx.msk [tilespmem:v34+s11+$0x0], $0xffff;
	[tilespmem:s0+$0x0] =	vst v28  }
0x7d: {  	s10 =	sadd.s32 s17, s13;
	s13 =	sand.u32 $0x60, s30;
	s29 =	sor.u32 s6, s15;
	[tilespmem:s7+$0x5800] =	vst v35;
	v28 =	vld.idx.msk [tilespmem:v7+s11+$0x0], $0xffff  }
0x7e: {  	v61 =	vor.u32 $0x380, v0;
	v0 =	vmov v19;
	s30 =	sor.u32 s13, s15;
	v22 =	vld.idx.msk [tilespmem:v22+s11+$0x0], $0xffff;
	[tilespmem:s29+$0x0] =	vst v37  }
0x7f: {  	v19 =	vor.u32 $0x100, v0;
	[tilespmem:s30+$0x0] =	vst v20;
	v24 =	vld.idx.msk [tilespmem:v24+s11+$0x0], $0xffff  }
0x80: {  	s15 =	sor.u32 $0x300, s8;
	v20 =	vld.idx.msk [tilespmem:v29+s11+$0x0], $0xffff;
	[tilespmem:s31+$0x5800] =	vst v60  }
0x81: {  	v62 =	vld.idx.msk [tilespmem:v9+s11+$0x0], $0xffff;
	[tilespmem:s15+$0x5800] =	vst v21  }
0x82: {  	s23 =	sadd.s32 $0x4, s23;
	v63 =	vld.idx.msk [tilespmem:v8+s11+$0x0], $0xffff;
	[tilespmem:s3+$0x80] =	vst v23  }
0x83: {  	p1 =	slt.u32 s23, $0x7C;
	s10 =	sadd.s32 $0x20, s10;
	s16 =	sadd.s32 s9, s17;
	v7 =	vmov v27;
	v27 =	vld.idx.msk [tilespmem:v61+s11+$0x0], $0xffff;
	[tilespmem:s28+$0x5800] =	vst v28  }
0x84: {  	s20 =	sor.u32 $0x380, s10;
	s1 =	sor.u32 $0x200, s16;
	s13 =	sor.u32 $0x200, s10;
	v19 =	vld.idx.msk [tilespmem:v19+s11+$0x0], $0xffff;
	[tilespmem:s0+$0x80] =	vst v22  }
0x85: {  	s19 =	sor.u32 $0x280, s10;
	s6 =	sor.u32 $0x280, s16;
	s9 =	sor.u32 $0x300, s16;
	v22 =	vor.u32 $0x180, v0;
	[tilespmem:s29+$0x80] =	vst v24;
	v25 =	vld.idx.msk [tilespmem:v25+s11+$0x0], $0xffff  }
0x86: {  	s7 =	sor.u32 $0x300, s10;
	s16 =	sor.u32 $0x380, s16;
	s10 =	smov.u32 s21;
	[tilespmem:s30+$0x80] =	vst v20;
	v21 =	vld.idx.msk [tilespmem:v26+s11+$0x0], $0xffff  }
.Ltmp0:
0x87: {  	s21 =	smov.u32 s16;
	s16 =	sor.u32 $0x380, s8;
	v23 =	vld.idx.msk [tilespmem:v31+s11+$0x0], $0xffff;
	[tilespmem:s25+$0x5800] =	vst v63;
	(pc) =	sbr.rel @p1 .LBB2_2-.Ltmp0, $4  }
0x88: {  	s5 =	sadd.s32 $0x40, s5;
	v20 =	vld.idx.msk [tilespmem:v4+s11+$0x0], $0xffff;
	[tilespmem:s16+$0x5800] =	vst v27  }
0x89: {  	s24 =	smov.u32 s22;
	s22 =	smov.u32 s20;
	s20 =	rddreg [dreg:$0x9];
	[tilespmem:s3+$0x100] =	vst v19;
	v19 =	vld.idx.msk [tilespmem:v5+s11+$0x0], $0xffff  }
0x8a: {  	v10 =	vmov v36;
	s31 =	smov.u32 s13;
	s13 =	rddreg [dreg:$0x5];
	v9 =	vmov v38;
	s15 =	smov.u32 s2;
	[tilespmem:s20+$0x5800] =	vst v62;
	v24 =	vld.idx.msk [tilespmem:v22+s11+$0x0], $0xffff  }
0x8b: {  	v8 =	vmovc v39;
	s28 =	smov.u32 s6;
	s6 =	rddreg [dreg:$0x7];
	v4 =	vmovc v40;
	s25 =	smov.u32 s19;
	v5 =	vmov v42;
	v22 =	vld.idx.msk [tilespmem:v6+s11+$0x0], $0xffff;
	v6 =	vmov v41;
	[tilespmem:s0+$0x100] =	vst v25;
	v25 =	vor.u32 $0x200, v0  }
0x8c: {  	_ =	sdelay $0x3  }
0x8d: {  	[tilespmem:s29+$0x100] =	vst v21;
	v16 =	vld.idx.msk [tilespmem:v16+s11+$0x0], $0xffff  }
0x8e: {  	[tilespmem:s30+$0x100] =	vst v23;
	v18 =	vld.idx.msk [tilespmem:v18+s11+$0x0], $0xffff  }
0x8f: {  	v17 =	vld.idx.msk [tilespmem:v17+s11+$0x0], $0xffff;
	_ =	sdelay $0x1  }
0x90: {  	s2 =	sadd.s32 $0x4, s4;
	[tilespmem:s3+$0x180] =	vst v24  }
0x91: {  	s2 =	sand.u32 $0x7, s2;
	v21 =	vld.idx.msk [tilespmem:v25+s11+$0x0], $0xffff;
	[tilespmem:s0+$0x180] =	vst v16  }
0x92: {  	s4 =	sshll.u32 s2, $0x4;
	v16 =	vor.u32 $0x280, v0;
	[tilespmem:s29+$0x180] =	vst v18;
	v12 =	vld.idx.msk [tilespmem:v12+s11+$0x0], $0xffff  }
0x93: {  	s0 =	sadd.s32 s4, s17;
	[tilespmem:s30+$0x180] =	vst v17;
	v11 =	vld.idx.msk [tilespmem:v11+s11+$0x0], $0xffff  }
0x94: {  	s5 =	sadd.s32 $0x30, s0;
	v10 =	vld.idx.msk [tilespmem:v10+s11+$0x0], $0xffff  }
0x95: {  	s8 =	sor.u32 $0x200, s5  }
0x96: {  	s0 =	sadd.s32 $0x10, s0;
	[tilespmem:s8+$0x5800] =	vst v21  }
0x97: {  	s16 =	sor.u32 $0x200, s0;
	v16 =	vld.idx.msk [tilespmem:v16+s11+$0x0], $0xffff;
	[tilespmem:s1+$0x5800] =	vst v12  }
0x98: {  	v12 =	vor.u32 $0x300, v0;
	[tilespmem:s16+$0x5800] =	vst v11;
	v7 =	vld.idx.msk [tilespmem:v7+s11+$0x0], $0xffff  }
0x99: {  	[tilespmem:s31+$0x5800] =	vst v10;
	v9 =	vld.idx.msk [tilespmem:v9+s11+$0x0], $0xffff  }
0x9a: {  	[tilespmem:s13+$0x5800] =	vst v20;
	v8 =	vld.idx.msk [tilespmem:v8+s11+$0x0], $0xffff  }
0x9b: {  	[tilespmem:s6+$0x5800] =	vst v19;
	s17 =	sor.u32 $0x280, s5  }
0x9c: {  	v3 =	vld.idx.msk [tilespmem:v3+s11+$0x0], $0xffff;
	[tilespmem:s17+$0x5800] =	vst v16  }
0x9d: {  	s18 =	sor.u32 $0x280, s0;
	v10 =	vld.idx.msk [tilespmem:v12+s11+$0x0], $0xffff;
	[tilespmem:s28+$0x5800] =	vst v7  }
0x9e: {  	v0 =	vor.u32 $0x380, v0;
	v4 =	vld.idx.msk [tilespmem:v4+s11+$0x0], $0xffff;
	[tilespmem:s18+$0x5800] =	vst v9  }
0x9f: {  	[tilespmem:s25+$0x5800] =	vst v8;
	v6 =	vld.idx.msk [tilespmem:v6+s11+$0x0], $0xffff  }
0xa0: {  	[tilespmem:s14+$0x5800] =	vst v22;
	v5 =	vld.idx.msk [tilespmem:v5+s11+$0x0], $0xffff  }
0xa1: {  	v1 =	vld.idx.msk [tilespmem:v1+s11+$0x0], $0xffff;
	[tilespmem:s10+$0x5800] =	vst v3;
	s19 =	sor.u32 $0x300, s5  }
0xa2: {  	v2 =	vld.idx.msk [tilespmem:v2+s11+$0x0], $0xffff;
	[tilespmem:s19+$0x5800] =	vst v10  }
0xa3: {  	s20 =	sor.u32 $0x300, s0;
	v0 =	vld.idx.msk [tilespmem:v0+s11+$0x0], $0xffff;
	[tilespmem:s9+$0x5800] =	vst v4  }
0xa4: {  	[tilespmem:s20+$0x5800] =	vst v6;
	v3 =	vld.idx.msk [tilespmem:v15+s11+$0x0], $0xffff  }
0xa5: {  	[tilespmem:s7+$0x5800] =	vst v5;
	v4 =	vld.idx.msk [tilespmem:v14+s11+$0x0], $0xffff  }
0xa6: {  	[tilespmem:s15+$0x5800] =	vst v1;
	v1 =	vld.idx.msk [tilespmem:v13+s11+$0x0], $0xffff  }
0xa7: {  	s23 =	sor.u32 $0x380, s5;
	[tilespmem:s24+$0x5800] =	vst v2  }
0xa8: {  	[tilespmem:s23+$0x5800] =	vst v0  }
0xa9: {  	s0 =	sor.u32 $0x380, s0;
	[tilespmem:s21+$0x5800] =	vst v3  }
0xaa: {  	[tilespmem:s0+$0x5800] =	vst v4  }
0xab: {  	s24 =	simm.s32 $0x5800;
	[tilespmem:s22+$0x5800] =	vst v1  }
0xac: {  	s17 =	simm.s32 $0x0;
	s25 =	simm.s32 $0x820;
	s0 =	rddreg [dreg:$0xf]  }
0xad: {  	[hbm4b:s0+s17] =	stream.linear.scatter [tilespmem:s24], [sflag:$0x1], $0x4000, $0x38;
	[tilespmem:$0x11800] =	vst v63  }
0xae: {  	v0 =	vld [tilespmem:s25+$0x10];
	_ =	sdelay $0x3  }
0xaf: {  	v1 =	vld [tilespmem:s25+$0xFFFFFFE0]  }
0xb0: {  	v2 =	vld [tilespmem:s25+$0xFFFFFFF0];
	v3 =	vshll.u32 v0, $0x3  }
0xb1: {  	v0 =	vand.u32 $0x7F, v0;
	v3 =	vand.u32 $0xFFFFFC00, v3  }
0xb2: {  	v3 =	vor.u32 v0, v3;
	v0 =	vld [tilespmem:s25+$0x0];
	_ =	sdelay $0x1  }
0xb3: {  	v4 =	vshll.u32 v1, $0x3  }
0xb4: {  	v5 =	vshll.u32 v2, $0x3;
	v1 =	vand.u32 $0x7F, v1;
	v4 =	vand.u32 $0xFFFFFC00, v4  }
0xb5: {  	v6 =	vand.u32 $0x7F, v2;
	v5 =	vand.u32 $0xFFFFFC00, v5;
	v2 =	vor.u32 v1, v4  }
0xb6: {  	v1 =	vor.u32 v6, v5;
	v5 =	vld.idx.msk [tilespmem:v3+s12+$0x0], $0xffff;
	v4 =	vshll.u32 v0, $0x3  }
0xb7: {  	v6 =	vor.u32 $0x80, v3;
	v0 =	vand.u32 $0x7F, v0;
	v4 =	vand.u32 $0xFFFFFC00, v4  }
0xb8: {  	s26 =	simm.s32 $0x30;
	s2 =	sand.u32 $0x7C00, s17;
	v4 =	vor.u32 v0, v4  }
0xb9: {  	s1 =	sadd.s32 $0x9800, s2;
	s0 =	sand.u32 $0x70, s26  }
0xba: {  	s0 =	sor.u32 s0, s1;
	v0 =	vld.idx.msk [tilespmem:v2+s12+$0x0], $0xffff  }
0xbb: {  	v7 =	vor.u32 $0x80, v2;
	v8 =	vld.idx.msk [tilespmem:v1+s12+$0x0], $0xffff;
	[tilespmem:s0+$0x0] =	vst v5  }
0xbc: {  	s3 =	simm.s32 $0x0;
	v5 =	vor.u32 $0x80, v1;
	v6 =	vld.idx.msk [tilespmem:v6+s12+$0x0], $0xffff  }
0xbd: {  	s4 =	simm.s32 $0x10;
	s2 =	sand.u32 $0x40, s3;
	v9 =	vor.u32 $0x100, v3;
	v10 =	vld.idx.msk [tilespmem:v4+s12+$0x0], $0xffff  }
0xbe: {  	s5 =	sand.u32 $0x50, s4;
	s6 =	sor.u32 s2, s1;
	v11 =	vor.u32 $0x80, v4  }
0xbf: {  	s8 =	simm.s32 $0x20;
	s7 =	sor.u32 s5, s1;
	[tilespmem:s6+$0x0] =	vst v0  }
0xc0: {  	s4 =	sand.u32 $0x60, s8;
	[tilespmem:s7+$0x0] =	vst v8;
	v0 =	vld.idx.msk [tilespmem:v7+s12+$0x0], $0xffff  }
0xc1: {  	s1 =	sor.u32 s4, s1;
	v7 =	vor.u32 $0x100, v2;
	v5 =	vld.idx.msk [tilespmem:v5+s12+$0x0], $0xffff;
	[tilespmem:s0+$0x80] =	vst v6  }
0xc2: {  	v6 =	vor.u32 $0x100, v1;
	v8 =	vld.idx.msk [tilespmem:v9+s12+$0x0], $0xffff;
	[tilespmem:s1+$0x0] =	vst v10  }
0xc3: {  	v10 =	vld.idx.msk [tilespmem:v11+s12+$0x0], $0xffff  }
0xc4: {  	s9 =	simm.s32 $0x860;
	v9 =	vor.u32 $0x180, v3  }
0xc5: {  	v13 =	vld [tilespmem:s9+$0xFFFFFFF0];
	[tilespmem:s6+$0x80] =	vst v0  }
0xc6: {  	v11 =	vor.u32 $0x100, v4;
	v0 =	vld.idx.msk [tilespmem:v7+s12+$0x0], $0xffff;
	[tilespmem:s7+$0x80] =	vst v5  }
0xc7: {  	v5 =	vld.idx.msk [tilespmem:v6+s12+$0x0], $0xffff;
	[tilespmem:s0+$0x100] =	vst v8  }
0xc8: {  	v8 =	vld [tilespmem:s9+$0x10];
	[tilespmem:s1+$0x80] =	vst v10;
	v10 =	vor.u32 $0x180, v2  }
0xc9: {  	v12 =	vor.u32 $0x180, v1;
	v6 =	vld.idx.msk [tilespmem:v9+s12+$0x0], $0xffff  }
0xca: {  	v15 =	vld [tilespmem:s9+$0x0];
	v7 =	vor.u32 $0x200, v3  }
0xcb: {  	v9 =	vld.idx.msk [tilespmem:v11+s12+$0x0], $0xffff  }
0xcc: {  	v11 =	vld [tilespmem:s9+$0xFFFFFFE0];
	[tilespmem:s6+$0x100] =	vst v0  }
0xcd: {  	[tilespmem:s7+$0x100] =	vst v5;
	v14 =	vshll.u32 v8, $0x3;
	v5 =	vld.idx.msk [tilespmem:v10+s12+$0x0], $0xffff  }
0xce: {  	v8 =	vand.u32 $0x7F, v8;
	[tilespmem:s0+$0x180] =	vst v6;
	v6 =	vor.u32 $0x180, v4;
	v0 =	vand.u32 $0xFFFFFC00, v14;
	v10 =	vld.idx.msk [tilespmem:v12+s12+$0x0], $0xffff  }
0xcf: {  	s10 =	sand.u32 $0x7, s17;
	v7 =	vld.idx.msk [tilespmem:v7+s12+$0x0], $0xffff;
	v0 =	vor.u32 v8, v0  }
0xd0: {  	v18 =	vshll.u32 v15, $0x3;
	s0 =	sshll.u32 s10, $0x4;
	v8 =	vor.u32 $0x200, v1  }
0xd1: {  	v16 =	vor.u32 $0x280, v3;
	v17 =	vor.u32 $0x200, v2;
	s5 =	sadd.s32 $0x0, s0;
	v12 =	vshll.u32 v11, $0x3;
	[tilespmem:s1+$0x100] =	vst v9  }
0xd2: {  	v14 =	vshll.u32 v13, $0x3;
	v11 =	vand.u32 $0x7F, v11;
	s0 =	sadd.s32 $0x30, s5;
	v9 =	vand.u32 $0xFFFFFC00, v12;
	[tilespmem:s6+$0x180] =	vst v5  }
0xd3: {  	v13 =	vand.u32 $0x7F, v13;
	v12 =	vand.u32 $0xFFFFFC00, v14;
	s13 =	sor.u32 $0x200, s0;
	v14 =	vor.u32 v11, v9;
	v6 =	vld.idx.msk [tilespmem:v6+s12+$0x0], $0xffff;
	[tilespmem:s7+$0x180] =	vst v10  }
0xd4: {  	v13 =	vor.u32 v13, v12;
	v9 =	vand.u32 $0x7F, v15;
	[tilespmem:s13+$0x9800] =	vst v7;
	v7 =	vand.u32 $0xFFFFFC00, v18;
	v5 =	vld.idx.msk [tilespmem:v0+s12+$0x0], $0xffff  }
0xd5: {  	v8 =	vld.idx.msk [tilespmem:v8+s12+$0x0], $0xffff;
	v19 =	vor.u32 v9, v7  }
0xd6: {  	p0 =	por $0x0, $0x0;
	s3 =	simm.s32 $0x1;
	s18 =	simm.s32 $0x200;
	v10 =	vor.u32 $0x80, v0;
	v11 =	vld.idx.msk [tilespmem:v16+s12+$0x0], $0xffff  }
0xd7: {  	s3 =	simm.s32 @!p0 $0x0;
	s15 =	sand.u32 $0x7C00, s18;
	s19 =	simm.s32 $0x70;
	v7 =	vld.idx.msk [tilespmem:v17+s12+$0x0], $0xffff;
	v9 =	vor.u32 $0x300, v3  }
0xd8: {  	s14 =	sshll.u32 s3, $0x6;
	s3 =	sadd.s32 $0x9800, s15;
	s16 =	sand.u32 $0x70, s19;
	v12 =	vor.u32 $0x200, v4;
	v15 =	vld.idx.msk [tilespmem:v14+s12+$0x0], $0xffff  }
0xd9: {  	s4 =	sor.u32 s16, s3;
	v16 =	vor.u32 $0x280, v2;
	[tilespmem:s1+$0x180] =	vst v6;
	v6 =	vld.idx.msk [tilespmem:v13+s12+$0x0], $0xffff  }
0xda: {  	s23 =	sadd.s32 $0x10, s5;
	s20 =	sor.u32 $0x280, s0;
	v17 =	vor.u32 $0x80, v14;
	[tilespmem:s4+$0x0] =	vst v5;
	v18 =	vld.idx.msk [tilespmem:v19+s12+$0x0], $0xffff  }
0xdb: {  	s21 =	sadd.s32 $0x0, s14;
	s24 =	simm.s32 $0x40;
	s25 =	sor.u32 $0x200, s23;
	[tilespmem:s20+$0x9800] =	vst v11;
	v11 =	vor.u32 $0x80, v13;
	v10 =	vld.idx.msk [tilespmem:v10+s12+$0x0], $0xffff  }
0xdc: {  	s8 =	simm.s32 $0x50;
	s22 =	sor.u32 $0x200, s21;
	s5 =	sand.u32 $0x40, s24;
	[tilespmem:s25+$0x9800] =	vst v8;
	v5 =	vld.idx.msk [tilespmem:v9+s12+$0x0], $0xffff;
	v9 =	vor.u32 $0x80, v19  }
0xdd: {  	s8 =	sand.u32 $0x50, s8;
	s26 =	simm.s32 $0x60;
	s1 =	sor.u32 s5, s3;
	v8 =	vor.u32 $0x100, v0;
	[tilespmem:s22+$0x9800] =	vst v7;
	v7 =	vld.idx.msk [tilespmem:v12+s12+$0x0], $0xffff  }
0xde: {  	s30 =	sor.u32 s8, s3;
	s10 =	sand.u32 $0x60, s26;
	s6 =	sand.u32 $0x3, s17;
	[tilespmem:s1+$0x0] =	vst v15;
	v12 =	vld.idx.msk [tilespmem:v16+s12+$0x0], $0xffff;
	v15 =	vor.u32 $0x280, v1  }
0xdf: {  	s29 =	sor.u32 s10, s3;
	v3 =	vor.u32 $0x380, v3;
	s5 =	sshll.u32 s6, $0x5;
	v16 =	vld.idx.msk [tilespmem:v17+s12+$0x0], $0xffff;
	[tilespmem:s30+$0x0] =	vst v6  }
0xe0: {  	s13 =	sadd.s32 $0x0, s5;
	v6 =	vor.u32 $0x280, v4;
	v11 =	vld.idx.msk [tilespmem:v11+s12+$0x0], $0xffff;
	[tilespmem:s29+$0x0] =	vst v18  }
0xe1: {  	s14 =	sor.u32 $0x300, s0;
	s3 =	sadd.s32 $0x20, s13;
	v17 =	vor.u32 $0x100, v14;
	[tilespmem:s4+$0x80] =	vst v10;
	v9 =	vld.idx.msk [tilespmem:v9+s12+$0x0], $0xffff  }
0xe2: {  	s15 =	sor.u32 $0x200, s3;
	[tilespmem:s14+$0x9800] =	vst v5;
	v5 =	vor.u32 $0x100, v13;
	v8 =	vld.idx.msk [tilespmem:v8+s12+$0x0], $0xffff  }
0xe3: {  	s28 =	simm.s32 $0x2;
	p0 =	por !p0, !p0;
	s16 =	sor.u32 $0x280, s21;
	v20 =	vor.u32 $0x100, v19;
	[tilespmem:s15+$0x9800] =	vst v7;
	v15 =	vld.idx.msk [tilespmem:v15+s12+$0x0], $0xffff  }
0xe4: {  	v22 =	vor.u32 $0x300, v2;
	s10 =	sor.u32 $0x380, s21;
	s0 =	sor.u32 $0x380, s0;
	s13 =	sor.u32 $0x300, s21;
	[tilespmem:s16+$0x9800] =	vst v12;
	v10 =	vld.idx.msk [tilespmem:v3+s12+$0x0], $0xffff  }
0xe5: {  	v24 =	vor.u32 $0x180, v0;
	s21 =	sand.u32 $0x3, s28;
	s5 =	sor.u32 $0x280, s3;
	s6 =	sor.u32 $0x300, s3;
	[tilespmem:s1+$0x80] =	vst v16;
	v25 =	vld.idx.msk [tilespmem:v6+s12+$0x0], $0xffff  }
0xe6: {  	v26 =	vor.u32 $0x300, v1;
	v27 =	vor.u32 $0x300, v4;
	s24 =	sor.u32 $0x380, s3;
	s3 =	simm.s32 $0x1;
	v1 =	vor.u32 $0x380, v1;
	s7 =	sshll.u32 s21, $0x5;
	v28 =	vld.idx.msk [tilespmem:v17+s12+$0x0], $0xffff;
	[tilespmem:s30+$0x80] =	vst v11  }
0xe7: {  	s25 =	simm.s32 $0x4;
	s3 =	simm.s32 @!p0 $0x0;
	s7 =	sadd.s32 $0x200, s7;
	v18 =	vor.u32 $0x180, v13;
	v7 =	vor.u32 $0x280, v14;
	v12 =	vor.u32 $0x200, v14;
	v21 =	vld.idx.msk [tilespmem:v5+s12+$0x0], $0xffff;
	[tilespmem:s29+$0x80] =	vst v9  }
0xe8: {  	s20 =	sor.u32 $0x280, s23;
	s22 =	sshll.u32 s3, $0x6;
	s7 =	sadd.s32 $0x20, s7;
	v3 =	vor.u32 $0x380, v2;
	v2 =	vor.u32 $0x380, v4;
	v16 =	vor.u32 $0x180, v14;
	[tilespmem:s4+$0x100] =	vst v8;
	v23 =	vld.idx.msk [tilespmem:v20+s12+$0x0], $0xffff  }
0xe9: {  	s3 =	sor.u32 $0x380, s23;
	s31 =	sor.u32 $0x200, s7;
	s26 =	sor.u32 $0x280, s7;
	v4 =	vor.u32 $0x300, v14;
	v17 =	vor.u32 $0x180, v19;
	v6 =	vor.u32 $0x300, v13;
	[tilespmem:s20+$0x9800] =	vst v15;
	v20 =	vld.idx.msk [tilespmem:v22+s12+$0x0], $0xffff  }
0xea: {  	s8 =	sor.u32 $0x300, s7;
	s14 =	sor.u32 $0x300, s23;
	s23 =	sadd.s32 $0x200, s22;
	v11 =	vor.u32 $0x200, v13;
	v9 =	vor.u32 $0x280, v13;
	v8 =	vor.u32 $0x280, v19;
	[tilespmem:s0+$0x9800] =	vst v10;
	v24 =	vld.idx.msk [tilespmem:v24+s12+$0x0], $0xffff  }
0xeb: {  	s22 =	sor.u32 $0x380, s7;
	s15 =	sor.u32 $0x200, s23;
	s9 =	sor.u32 $0x300, s23;
	v5 =	vor.u32 $0x300, v19;
	v15 =	vor.u32 $0x380, v14;
	v14 =	vor.u32 $0x380, v13;
	v22 =	vld.idx.msk [tilespmem:v26+s12+$0x0], $0xffff;
	[tilespmem:s5+$0x9800] =	vst v25  }
0xec: {  	v13 =	vor.u32 $0x380, v19;
	v10 =	vor.u32 $0x200, v19;
	s0 =	sor.u32 $0x280, s23;
	s23 =	sor.u32 $0x380, s23;
	[tilespmem:s1+$0x100] =	vst v28;
	v25 =	vor.u32 $0x200, v0;
	s5 =	simm.s32 $0x8A0;
	v19 =	vld.idx.msk [tilespmem:v27+s12+$0x0], $0xffff  }
.LBB2_4:
0xed: {  	v26 =	vld [tilespmem:s5+$0x10];
	[tilespmem:s30+$0x100] =	vst v21  }
0xee: {  	v21 =	vld [tilespmem:s5+$0xFFFFFFE0];
	[tilespmem:s29+$0x100] =	vst v23  }
0xef: {  	v23 =	vld [tilespmem:s5+$0xFFFFFFF0];
	[tilespmem:s13+$0x9800] =	vst v20  }
0xf0: {  	v20 =	vld [tilespmem:s5+$0x0];
	[tilespmem:s4+$0x180] =	vst v24  }
0xf1: {  	v24 =	vld.idx.msk [tilespmem:v25+s12+$0x0], $0xffff  }
0xf2: {  	s17 =	sadd.s32 $0x4, s17;
	[tilespmem:s14+$0x9800] =	vst v22;
	v22 =	vshll.u32 v26, $0x3;
	v16 =	vld.idx.msk [tilespmem:v16+s12+$0x0], $0xffff  }
0xf3: {  	s2 =	smov.u32 s9;
	s20 =	sand.u32 $0x7, s17;
	[tilespmem:s6+$0x9800] =	vst v19;
	v18 =	vld.idx.msk [tilespmem:v18+s12+$0x0], $0xffff;
	v25 =	vor.u32 $0x280, v0;
	v19 =	vand.u32 $0xFFFFFC00, v22;
	v22 =	vand.u32 $0x7F, v26  }
0xf4: {  	[dreg:$0x6] =	wrdreg s2;
	s2 =	sshll.u32 s20, $0x4;
	v17 =	vld.idx.msk [tilespmem:v17+s12+$0x0], $0xffff;
	v19 =	vor.u32 v22, v19;
	v26 =	vshll.u32 v21, $0x3;
	v27 =	vshll.u32 v23, $0x3  }
0xf5: {  	s2 =	sadd.s32 s2, s18;
	v28 =	vld.idx.msk [tilespmem:v3+s12+$0x0], $0xffff;
	v22 =	vand.u32 $0xFFFFFC00, v26;
	v26 =	vand.u32 $0xFFFFFC00, v27;
	v27 =	vshll.u32 v20, $0x3  }
0xf6: {  	s7 =	sadd.s32 $0x30, s2;
	v3 =	vmovc v15;
	v15 =	vand.u32 $0x7F, v21;
	v21 =	vand.u32 $0x7F, v23;
	v23 =	vand.u32 $0xFFFFFC00, v27;
	v27 =	vld.idx.msk [tilespmem:v1+s12+$0x0], $0xffff  }
0xf7: {  	s13 =	sor.u32 $0x200, s7;
	[tilespmem:s1+$0x180] =	vst v16;
	v1 =	vmov v14;
	v14 =	vor.u32 v15, v22;
	v15 =	vand.u32 $0x7F, v20;
	v20 =	vld.idx.msk [tilespmem:v2+s12+$0x0], $0xffff  }
0xf8: {  	s21 =	smov.u32 s8;
	p0 =	por !p0, !p0;
	s28 =	sadd.s32 $0x2, s28;
	[tilespmem:s13+$0x9800] =	vst v24;
	v21 =	vor.u32 v21, v26;
	v32 =	vld.idx.msk [tilespmem:v12+s12+$0x0], $0xffff  }
0xf9: {  	s19 =	sadd.s32 $0x40, s19;
	[dreg:$0x8] =	wrdreg s21;
	s16 =	sand.u32 $0x3, s28;
	[tilespmem:s30+$0x180] =	vst v18;
	v23 =	vor.u32 v15, v23;
	v15 =	vld.idx.msk [tilespmem:v25+s12+$0x0], $0xffff  }
0xfa: {  	v33 =	vor.u32 $0x300, v0;
	s20 =	sshll.u32 s16, $0x5;
	s16 =	sadd.s32 $0xFFFFFFD0, s19;
	s18 =	sadd.s32 $0x200, s18;
	v34 =	vor.u32 $0x80, v19;
	[tilespmem:s29+$0x180] =	vst v17;
	v30 =	vld.idx.msk [tilespmem:v19+s12+$0x0], $0xffff  }
0xfb: {  	s6 =	sadd.s32 $0x10, s2;
	s21 =	sand.u32 $0x7C00, s18;
	s4 =	sand.u32 $0x70, s19;
	[tilespmem:s10+$0x9800] =	vst v28;
	v22 =	vor.u32 $0x80, v14;
	v24 =	vor.u32 $0x80, v21;
	v25 =	vor.u32 $0x100, v14;
	v35 =	vld.idx.msk [tilespmem:v11+s12+$0x0], $0xffff  }
0xfc: {  	s8 =	sor.u32 $0x200, s6;
	s9 =	sor.u32 $0x280, s6;
	s14 =	sor.u32 $0x300, s6;
	v26 =	vor.u32 $0x100, v21;
	v16 =	vor.u32 $0x180, v14;
	v18 =	vor.u32 $0x180, v21;
	v28 =	vld.idx.msk [tilespmem:v14+s12+$0x0], $0xffff;
	[tilespmem:s3+$0x9800] =	vst v27  }
0xfd: {  	s2 =	sor.u32 $0x380, s6;
	s6 =	sor.u32 $0x280, s7;
	v12 =	vor.u32 $0x200, v14;
	v11 =	vor.u32 $0x200, v21;
	v38 =	vor.u32 $0x280, v21;
	s3 =	sadd.s32 $0x9800, s21;
	[tilespmem:s24+$0x9800] =	vst v20;
	v37 =	vld.idx.msk [tilespmem:v21+s12+$0x0], $0xffff  }
0xfe: {  	[dreg:$0xa] =	wrdreg s9;
	s1 =	simm.s32 $0x1;
	v40 =	vor.u32 $0x300, v14;
	v41 =	vor.u32 $0x300, v21;
	v29 =	vor.u32 $0x80, v23;
	v20 =	vld.idx.msk [tilespmem:v23+s12+$0x0], $0xffff;
	s4 =	sor.u32 s4, s3;
	[tilespmem:s6+$0x9800] =	vst v15  }
0xff: {  	s1 =	simm.s32 @!p0 $0x0;
	s10 =	sadd.s32 s18, s20;
	v31 =	vor.u32 $0x100, v23;
	v17 =	vor.u32 $0x180, v23;
	v36 =	vor.u32 $0x200, v23;
	s21 =	sand.u32 $0x40, s16;
	v60 =	vld.idx.msk [tilespmem:v10+s12+$0x0], $0xffff;
	[tilespmem:s4+$0x0] =	vst v30  }
0x100: {  	s20 =	sadd.s32 $0xFFFFFFE0, s19;
	s9 =	sshll.u32 s1, $0x6;
	v27 =	vor.u32 $0x280, v14;
	[tilespmem:s15+$0x9800] =	vst v32;
	v15 =	vor.u32 $0x380, v14;
	v14 =	vor.u32 $0x380, v21;
	s1 =	sor.u32 s21, s3;
	v21 =	vld.idx.msk [tilespmem:v33+s12+$0x0], $0xffff  }
0x101: {  	v2 =	vmovc v13;
	v39 =	vor.u32 $0x280, v23;
	v42 =	vor.u32 $0x300, v23;
	v13 =	vor.u32 $0x380, v23;
	s24 =	sand.u32 $0x50, s20;
	s6 =	sadd.s32 $0xFFFFFFF0, s19;
	v23 =	vld.idx.msk [tilespmem:v34+s12+$0x0], $0xffff;
	[tilespmem:s1+$0x0] =	vst v28  }
0x102: {  	s30 =	sor.u32 s24, s3;
	[tilespmem:s8+$0x9800] =	vst v35;
	s20 =	sand.u32 $0x60, s6;
	v28 =	vld.idx.msk [tilespmem:v7+s12+$0x0], $0xffff  }
0x103: {  	v61 =	vor.u32 $0x380, v0;
	v0 =	vmov v19;
	s29 =	sor.u32 s20, s3;
	v22 =	vld.idx.msk [tilespmem:v22+s12+$0x0], $0xffff;
	[tilespmem:s30+$0x0] =	vst v37  }
0x104: {  	v19 =	vor.u32 $0x100, v0;
	[tilespmem:s29+$0x0] =	vst v20;
	v24 =	vld.idx.msk [tilespmem:v24+s12+$0x0], $0xffff  }
0x105: {  	s24 =	sadd.s32 $0x20, s10;
	s10 =	sor.u32 $0x300, s7;
	v20 =	vld.idx.msk [tilespmem:v29+s12+$0x0], $0xffff;
	[tilespmem:s31+$0x9800] =	vst v60  }
0x106: {  	v62 =	vld.idx.msk [tilespmem:v9+s12+$0x0], $0xffff;
	[tilespmem:s10+$0x9800] =	vst v21  }
0x107: {  	v63 =	vld.idx.msk [tilespmem:v8+s12+$0x0], $0xffff;
	[tilespmem:s4+$0x80] =	vst v23  }
0x108: {  	s25 =	sadd.s32 $0x4, s25;
	v7 =	vmov v27;
	v27 =	vld.idx.msk [tilespmem:v61+s12+$0x0], $0xffff;
	[tilespmem:s0+$0x9800] =	vst v28  }
0x109: {  	p1 =	slt.u32 s25, $0xFC;
	s5 =	sadd.s32 $0x40, s5;
	s21 =	sadd.s32 s9, s18;
	v19 =	vld.idx.msk [tilespmem:v19+s12+$0x0], $0xffff;
	[tilespmem:s1+$0x80] =	vst v22  }
0x10a: {  	s15 =	sor.u32 $0x200, s21;
	s13 =	sor.u32 $0x200, s24;
	s6 =	sor.u32 $0x280, s21;
	v22 =	vor.u32 $0x180, v0;
	[tilespmem:s30+$0x80] =	vst v24;
	v25 =	vld.idx.msk [tilespmem:v25+s12+$0x0], $0xffff  }
0x10b: {  	s9 =	sor.u32 $0x300, s21;
	s16 =	sor.u32 $0x380, s21;
	s10 =	smov.u32 s23;
	[tilespmem:s29+$0x80] =	vst v20;
	v21 =	vld.idx.msk [tilespmem:v26+s12+$0x0], $0xffff  }
.Ltmp1:
0x10c: {  	s23 =	smov.u32 s16;
	s16 =	sor.u32 $0x380, s7;
	v23 =	vld.idx.msk [tilespmem:v31+s12+$0x0], $0xffff;
	[tilespmem:s26+$0x9800] =	vst v63;
	(pc) =	sbr.rel @p1 .LBB2_4-.Ltmp1, $4  }
0x10d: {  	s8 =	sor.u32 $0x300, s24;
	s21 =	sor.u32 $0x380, s24;
	s20 =	sor.u32 $0x280, s24;
	v20 =	vld.idx.msk [tilespmem:v4+s12+$0x0], $0xffff;
	[tilespmem:s16+$0x9800] =	vst v27  }
0x10e: {  	s24 =	smov.u32 s22;
	s22 =	smov.u32 s21;
	s21 =	rddreg [dreg:$0xa];
	[tilespmem:s4+$0x100] =	vst v19;
	v19 =	vld.idx.msk [tilespmem:v5+s12+$0x0], $0xffff  }
0x10f: {  	v10 =	vmov v36;
	s3 =	smov.u32 s2;
	s31 =	smov.u32 s13;
	s13 =	rddreg [dreg:$0x6];
	v9 =	vmov v38;
	[tilespmem:s21+$0x9800] =	vst v62;
	v24 =	vld.idx.msk [tilespmem:v22+s12+$0x0], $0xffff  }
0x110: {  	v8 =	vmovc v39;
	s0 =	smov.u32 s6;
	s6 =	rddreg [dreg:$0x8];
	v4 =	vmovc v40;
	s26 =	smov.u32 s20;
	v5 =	vmov v42;
	v22 =	vld.idx.msk [tilespmem:v6+s12+$0x0], $0xffff;
	v6 =	vmov v41;
	[tilespmem:s1+$0x100] =	vst v25;
	v25 =	vor.u32 $0x200, v0  }
0x111: {  	_ =	sdelay $0x3  }
0x112: {  	[tilespmem:s30+$0x100] =	vst v21;
	v16 =	vld.idx.msk [tilespmem:v16+s12+$0x0], $0xffff  }
0x113: {  	[tilespmem:s29+$0x100] =	vst v23;
	v18 =	vld.idx.msk [tilespmem:v18+s12+$0x0], $0xffff  }
0x114: {  	v17 =	vld.idx.msk [tilespmem:v17+s12+$0x0], $0xffff;
	_ =	sdelay $0x1  }
0x115: {  	s2 =	sadd.s32 $0x4, s17;
	[tilespmem:s4+$0x180] =	vst v24  }
0x116: {  	s7 =	sand.u32 $0x7, s2;
	v55 =	vld.idx.msk [tilespmem:v25+s12+$0x0], $0xffff;
	[tilespmem:s1+$0x180] =	vst v16  }
0x117: {  	v56 =	vor.u32 $0x280, v0;
	s1 =	sshll.u32 s7, $0x4;
	[tilespmem:s30+$0x180] =	vst v18;
	v12 =	vld.idx.msk [tilespmem:v12+s12+$0x0], $0xffff  }
0x118: {  	s1 =	sadd.s32 s1, s18;
	[tilespmem:s29+$0x180] =	vst v17;
	v11 =	vld.idx.msk [tilespmem:v11+s12+$0x0], $0xffff  }
0x119: {  	s16 =	sadd.s32 $0x30, s1;
	v10 =	vld.idx.msk [tilespmem:v10+s12+$0x0], $0xffff  }
0x11a: {  	s17 =	sor.u32 $0x200, s16  }
0x11b: {  	s1 =	sadd.s32 $0x10, s1;
	[tilespmem:s17+$0x9800] =	vst v55  }
0x11c: {  	s18 =	sor.u32 $0x200, s1;
	v57 =	vld.idx.msk [tilespmem:v56+s12+$0x0], $0xffff;
	[tilespmem:s15+$0x9800] =	vst v12  }
0x11d: {  	v58 =	vor.u32 $0x300, v0;
	[tilespmem:s18+$0x9800] =	vst v11;
	v7 =	vld.idx.msk [tilespmem:v7+s12+$0x0], $0xffff  }
0x11e: {  	[tilespmem:s31+$0x9800] =	vst v10;
	v9 =	vld.idx.msk [tilespmem:v9+s12+$0x0], $0xffff  }
0x11f: {  	[tilespmem:s13+$0x9800] =	vst v20;
	v8 =	vld.idx.msk [tilespmem:v8+s12+$0x0], $0xffff  }
0x120: {  	[tilespmem:s6+$0x9800] =	vst v19;
	s19 =	sor.u32 $0x280, s16  }
0x121: {  	v3 =	vld.idx.msk [tilespmem:v3+s12+$0x0], $0xffff;
	[tilespmem:s19+$0x9800] =	vst v57  }
0x122: {  	s20 =	sor.u32 $0x280, s1;
	v59 =	vld.idx.msk [tilespmem:v58+s12+$0x0], $0xffff;
	[tilespmem:s0+$0x9800] =	vst v7  }
0x123: {  	v60 =	vor.u32 $0x380, v0;
	[tilespmem:s20+$0x9800] =	vst v9;
	v4 =	vld.idx.msk [tilespmem:v4+s12+$0x0], $0xffff  }
0x124: {  	[tilespmem:s26+$0x9800] =	vst v8;
	v6 =	vld.idx.msk [tilespmem:v6+s12+$0x0], $0xffff  }
0x125: {  	[tilespmem:s14+$0x9800] =	vst v22;
	v5 =	vld.idx.msk [tilespmem:v5+s12+$0x0], $0xffff  }
0x126: {  	v2 =	vld.idx.msk [tilespmem:v2+s12+$0x0], $0xffff;
	[tilespmem:s10+$0x9800] =	vst v3;
	s21 =	sor.u32 $0x300, s16  }
0x127: {  	v1 =	vld.idx.msk [tilespmem:v1+s12+$0x0], $0xffff;
	[tilespmem:s21+$0x9800] =	vst v59  }
0x128: {  	s25 =	sor.u32 $0x300, s1;
	v0 =	vld.idx.msk [tilespmem:v60+s12+$0x0], $0xffff;
	[tilespmem:s9+$0x9800] =	vst v4  }
0x129: {  	[tilespmem:s25+$0x9800] =	vst v6;
	v61 =	vld.idx.msk [tilespmem:v15+s12+$0x0], $0xffff  }
0x12a: {  	[tilespmem:s8+$0x9800] =	vst v5;
	v62 =	vld.idx.msk [tilespmem:v14+s12+$0x0], $0xffff  }
0x12b: {  	[tilespmem:s24+$0x9800] =	vst v2;
	v63 =	vld.idx.msk [tilespmem:v13+s12+$0x0], $0xffff  }
0x12c: {  	[tilespmem:s3+$0x9800] =	vst v1;
	s26 =	sor.u32 $0x380, s16  }
0x12d: {  	[tilespmem:s26+$0x9800] =	vst v0  }
0x12e: {  	s28 =	sor.u32 $0x380, s1;
	[tilespmem:s23+$0x9800] =	vst v61  }
0x12f: {  	[tilespmem:s28+$0x9800] =	vst v62  }
0x130: {  	s13 =	simm.s32 $0x0;
	[tilespmem:s22+$0x9800] =	vst v63  }
0x131: {  	s2 =	simm.s32 $0x1;
	s29 =	simm.s32 $0x9800;
	s0 =	rddreg [dreg:$0x10]  }
0x132: {  	[hbm4b:s0+s13] =	stream.linear.scatter [tilespmem:s29], [sflag:$0x1], $0x8000, $0x38;
	[tilespmem:$0x11800] =	vst v63  }
0x133: {  	_ =	swait.ge [sflag:s2], $0x4000  }
0x134: {  	[sflag:s2] =	ssyncset.done $0x0  }
0x135: {  	[sflag:s2] =	ssyncadd.s32 $0xFFFFC000  }
0x136: {  	_ =	swait.ge [sflag:s2], $0x8000  }
0x137: {  	s30 =	rddreg [dreg:$0x12]  }
0x138: {  	s31 =	rddreg [dreg:$0x11];
	s1 =	sadd.s32 $0x1, s30  }
0x139: {  	p0 =	sne.s32 s1, s31  }
.Ltmp2:
0x13a: {  	_ = 	snop;
	(pc) =	sbr.rel @p0 .LBB2_1-.Ltmp2, $3  }
0x13b: {  	_ =	sdelay $0x1  }
0x13c: {  	[sflag:s2] =	ssyncset.done $0x0  }
0x13d: {  	[sflag:s2] =	ssyncadd.s32 $0xFFFF8000  }
0x13e: {  	_ =	sfence.sel $0x180000  }
0x13f: {  	[bflag:$0x0] =	sbarrier.arrive $0xFFFF  }
0x140: {  	_ =	strace $0x90000047  }
0x141: {  	s0 =	stileid.u32;
	[bflag:$0x2] =	sbarrier.arrive $0xFFFF  }
0x142: {  	p0 =	sne.s32 s0, $0x0;
	s0 =	rddreg [dreg:$0x4]  }
0x143: {  	s0 =	sadd.s32 @!p0 $0x100000, s0  }
0x144: {  	[sflag:s0] =	ssyncadd.tile.s32 @!p0 $0x1;
	_ =	shalt  }
.Lfunc_end2:
_tile_overlayer_lowered:
.L_overlay_start_2:
0x145: {  	(tag) =	ssettag $0x2  }
0x146: {  	s0 =	rddreg [dreg:$0x0];
	s2 =	stileid.u32  }
0x147: {  	s1 =	rddreg [dreg:$0x1];
	p0 =	sne.s32 s2, $0x0  }
0x148: {  	s3 =	rddreg [dreg:$0x2];
	[bflag:$0x3] =	sbarrier.arrive $0xFFFF;
	s2 =	simm.s32 @!p0 $0x1C02  }
0x149: {  	[timem:s3], [sflag:s2] =	dma.local @!p0 [hbm:s0], s1  }
0x14a: {  	s0 =	simm.s32 @!p0 $0x2  }
0x14b: {  	_ =	swait.ge @!p0 [sflag:s0], s1  }
0x14c: {  	s1 =	ssub.s32 @!p0 $0x0, s1;
	[sflag:s0] =	ssyncset.done @!p0 $0x0  }
0x14d: {  	[sflag:s0] =	ssyncadd.s32 @!p0 s1  }
0x14e: {  	[bflag:$0x3] =	sbarrier.arrive $0xFFFF  }
0x14f: {  	_ =	shalt  }

</sc_bundles>
